<compile_context>
chip_gen: v7x
topology: tpu7x:2x2x1
jax: 0.10.2.dev20260603
libtpu: 0.0.44.dev20260713+nightly
codegen_flags: <defaults>
</compile_context>

<pallas_src>
import functools

import jax
import jax.numpy as jnp
from jax import lax
from jax.experimental import pallas as pl
from jax.experimental.pallas import tpu as pltpu
from jax.experimental.pallas import tpu_sc as plsc

_B = 4096
_T = 200
_H = 64
_NW = 32
_RPW = _B // _NW
_NBUF = 4
_LANES = 16
_CCH = _H // _LANES
_TC0, _TC1 = 128, _T - 128


def _pool_body(entity_hbm, table_hbm, out_hbm, eidx, bufs, out_v, sems):
    c = lax.axis_index("c")
    s = lax.axis_index("s")
    wid = s * 2 + c
    base = wid * _RPW

    pltpu.sync_copy(entity_hbm.at[pl.ds(base, _RPW)], eidx)

    inv_t = jnp.float32(1.0 / _T)

    def issue(row, buf, sem):
        r = jnp.minimum(row, _RPW - 1)
        d0 = pltpu.async_copy(
            table_hbm.at[eidx.at[r, pl.ds(0, _TC0)]],
            buf.at[pl.ds(0, _TC0)], sem)
        d1 = pltpu.async_copy(
            table_hbm.at[eidx.at[r, pl.ds(_TC0, _TC1)]],
            buf.at[pl.ds(_TC0, _TC1)], sem)
        return d0, d1

    def accum(row, buf):
        def tstep(t, accs):
            return tuple(
                accs[cc] + buf[t, pl.ds(cc * _LANES, _LANES)]
                for cc in range(_CCH))
        accs = lax.fori_loop(
            0, _T, tstep,
            tuple(jnp.zeros((_LANES,), jnp.float32) for _ in range(_CCH)),
            unroll=4)
        for cc in range(_CCH):
            out_v[row, pl.ds(cc * _LANES, _LANES)] = accs[cc] * inv_t

    def group(i, carry):
        r0 = i * _NBUF
        descs = []
        for k in range(_NBUF):
            descs.append(issue(r0 + k, bufs[k], sems[k]))
        for k in range(_NBUF):
            d0, d1 = descs[k]
            d0.wait()
            d1.wait()
            accum(r0 + k, bufs[k])
        return carry

    lax.fori_loop(0, _RPW // _NBUF, group, 0)
    pltpu.sync_copy(out_v, out_hbm.at[pl.ds(base, _RPW)])


@functools.partial(jax.jit, static_argnums=())
def _pool(entity, emb):
    mesh = plsc.VectorSubcoreMesh(core_axis_name="c", subcore_axis_name="s")
    f = pl.kernel(
        _pool_body,
        out_type=jax.ShapeDtypeStruct((_B, _H), jnp.float32),
        mesh=mesh,
        scratch_types=[
            pltpu.VMEM((_RPW, _T), jnp.int32),
            [pltpu.VMEM((_T, _H), jnp.float32) for _ in range(_NBUF)],
            pltpu.VMEM((_RPW, _H), jnp.float32),
            [pltpu.SemaphoreType.DMA for _ in range(_NBUF)],
        ],
        compiler_params=pltpu.CompilerParams(use_tc_tiling_on_sc=False),
    )
    return f(entity, emb)


_VB = 32768
_V = 1000000
_NBLK = (_V + _VB - 1) // _VB
_VROWS = _NBLK * _VB


def _tr_body(in_ref, out_ref):
    x = in_ref[...]
    xt = jnp.transpose(x, (1, 0))
    out_ref[...] = jnp.concatenate(
        [xt[: _VB // 2], xt[_VB // 2:]], axis=1)


def _detile(embT):
    return pl.pallas_call(
        _tr_body,
        grid=(_NBLK,),
        in_specs=[pl.BlockSpec((_H, _VB), lambda i: (0, i))],
        out_specs=pl.BlockSpec((_VB // 2, 128), lambda i: (i, 0)),
        out_shape=jax.ShapeDtypeStruct((_VROWS // 2, 128), jnp.float32),
        compiler_params=pltpu.CompilerParams(
            dimension_semantics=("parallel",)),
    )(embT)


def _remap(entity):
    r = entity & (_VB - 1)
    return entity + jnp.where(r < _VB // 2, r, r - (_VB - 1))


def _mlp_body(x_ref, w0, b0, w1, b1, w2, b2, w3, b3, w4, b4, out_ref):
    x = x_ref[...]
    x = jnp.maximum(jnp.dot(x, w0[...], preferred_element_type=jnp.float32)
                    + b0[...], 0.0)
    x = jnp.maximum(jnp.dot(x, w1[...], preferred_element_type=jnp.float32)
                    + b1[...], 0.0)
    x = jnp.maximum(jnp.dot(x, w2[...], preferred_element_type=jnp.float32)
                    + b2[...], 0.0)
    x = jnp.maximum(jnp.dot(x, w3[...], preferred_element_type=jnp.float32)
                    + b3[...], 0.0)
    out_ref[...] = (jnp.dot(x, w4[...], preferred_element_type=jnp.float32)
                    + b4[...])


def _mlp(x, W0, b0, W1, b1, W2, b2, W3, b3, W4, b4):
    bb = 512
    n_out = W4.shape[1]
    grid = (_B // bb,)

    def wspec(w):
        return pl.BlockSpec(w.shape, lambda i: (0,) * w.ndim)

    return pl.pallas_call(
        _mlp_body,
        grid=grid,
        in_specs=[pl.BlockSpec((bb, _H), lambda i: (i, 0))]
        + [wspec(w) for w in (W0, b0, W1, b1, W2, b2, W3, b3, W4, b4)],
        out_specs=pl.BlockSpec((bb, n_out), lambda i: (i, 0)),
        out_shape=jax.ShapeDtypeStruct((_B, n_out), jnp.float32),
    )(x, W0, b0, W1, b1, W2, b2, W3, b3, W4, b4)


def kernel(entity, emb, W0, b0, W1, b1, W2, b2, W3, b3, W4, b4):
    emb_lin = _detile(emb.T).reshape(_VROWS, _H)
    pooled = _pool(_remap(entity), emb_lin)
    return _mlp(pooled, W0, b0, W1, b1, W2, b2, W3, b3, W4, b4)

# --- scband reference (transcript-rebuilt; emitter-appended) ---
"""Pipeline reference for scband-network-37915971289600 (READ-ONLY COPY).

The authoritative reference and input builder live on the scoring server;
editing this copy changes nothing except your own understanding.
"""

import jax, jax.numpy as jnp
import numpy as np

VOCAB = 1000000
H = 64
NUM_CLASSES = 1000
HIDDEN = [512, 1024, 1024, 128]
B = 4096
T = 200


def setup_inputs(seed: int = 0) -> dict:
    key = jax.random.key(seed)
    ks = jax.random.split(key, 16)
    entity = jax.random.randint(ks[0], (B, T), 0, VOCAB, dtype=jnp.int32)
    emb = jax.random.normal(ks[1], (VOCAB, H), dtype=jnp.float32) * 0.02
    dims = [H] + HIDDEN + [NUM_CLASSES]
    inp = {"entity": entity, "emb": emb}
    for i in range(len(dims) - 1):
        fan_in = dims[i]
        inp[f"W{i}"] = jax.random.normal(ks[2 + 2 * i], (dims[i], dims[i + 1]), dtype=jnp.float32) * (1.0 / np.sqrt(fan_in))
        inp[f"b{i}"] = jnp.zeros((dims[i + 1],), dtype=jnp.float32)
    return inp


def reference(entity, emb, W0, b0, W1, b1, W2, b2, W3, b3, W4, b4):
    # token sentence embedding: gather rows from table then mean over T
    x = jnp.take(emb, entity, axis=0)  # [B, T, H]
    x = jnp.mean(x, axis=1)            # [B, H]
    # LinearSequential MLP: hidden layers with ReLU, final linear
    Ws = [W0, W1, W2, W3, W4]
    bs = [b0, b1, b2, b3, b4]
    for i in range(4):
        x = jax.nn.relu(x @ Ws[i] + bs[i])
    x = x @ Ws[4] + bs[4]
    return x

if __name__ == "__main__":
    import jax
    _d = setup_inputs()
    print(jax.jit(kernel)(*tuple(_d.values())))

</pallas_src>

<mosaic_0001>
#map = affine_map<(d0, d1) -> (0, 0)>
module attributes {stable_mosaic.version = 14 : i64} {
  func.func @_pool_body(%arg0: i32, %arg1: i32, %arg2: memref<4096x200xi32, #tpu.memory_space<hbm>>, %arg3: memref<1015808x64xf32, #tpu.memory_space<hbm>>, %arg4: memref<4096x64xf32, #tpu.memory_space<hbm>>, %arg5: memref<128x200xi32, #tpu.memory_space<vmem>>, %arg6: memref<200x64xf32, #tpu.memory_space<vmem>>, %arg7: memref<200x64xf32, #tpu.memory_space<vmem>>, %arg8: memref<200x64xf32, #tpu.memory_space<vmem>>, %arg9: memref<200x64xf32, #tpu.memory_space<vmem>>, %arg10: memref<128x64xf32, #tpu.memory_space<vmem>>, %arg11: memref<!tpu.dma_semaphore, #tpu.memory_space<semaphore_mem>>, %arg12: memref<!tpu.dma_semaphore, #tpu.memory_space<semaphore_mem>>, %arg13: memref<!tpu.dma_semaphore, #tpu.memory_space<semaphore_mem>>, %arg14: memref<!tpu.dma_semaphore, #tpu.memory_space<semaphore_mem>>) attributes {dimension_semantics = [#tpu.dimension_semantics<core_parallel>, #tpu.dimension_semantics<subcore_parallel>], iteration_bounds = array<i64: 2, 16>, scalar_prefetch = 0 : i64, scratch_operands = 10 : i64, tpu.core_type = #tpu.core_type<sc_vector_subcore>, window_params = [{transform_indices = #map}, {transform_indices = #map}, {transform_indices = #map}]} {
    %mul3A = arith.constant 2 : i32
    %mul3A_0 = arith.muli %arg1, %mul3A : i32
    %add3A = arith.addi %mul3A_0, %arg0 : i32
    %mul3A_1 = arith.constant 128 : i32
    %mul3A_2 = arith.muli %add3A, %mul3A_1 : i32
    "tpu.region"() ({
      %run_scoped3A = tpu.sem_alloc : memref<!tpu.dma_semaphore, #tpu.memory_space<semaphore_mem>>
      %dma_start3A = arith.constant 0 : i32
      %dma_start3A_9 = tpu.memref_slice %arg2[%mul3A_2, %dma_start3A] : memref<4096x200xi32, #tpu.memory_space<hbm>> -> memref<128x200xi32, #tpu.memory_space<hbm>>
      %dma_start3A_10 = arith.constant 0 : i32
      %dma_start3A_11 = tpu.memref_slice %arg2[%mul3A_2, %dma_start3A_10] : memref<4096x200xi32, #tpu.memory_space<hbm>> -> memref<128x200xi32, #tpu.memory_space<hbm>>
      tpu.enqueue_dma source(%dma_start3A_11 : memref<128x200xi32, #tpu.memory_space<hbm>>) target(%arg5 : memref<128x200xi32, #tpu.memory_space<vmem>>) target_semaphore(%run_scoped3A : memref<!tpu.dma_semaphore, #tpu.memory_space<semaphore_mem>>)
      %dma_wait3A = arith.constant 0 : i32
      %dma_wait3A_12 = tpu.memref_slice %arg2[%mul3A_2, %dma_wait3A] : memref<4096x200xi32, #tpu.memory_space<hbm>> -> memref<128x200xi32, #tpu.memory_space<hbm>>
      %dma_wait3A_13 = arith.constant 0 : i32
      %dma_wait3A_14 = tpu.memref_slice %arg2[%mul3A_2, %dma_wait3A_13] : memref<4096x200xi32, #tpu.memory_space<hbm>> -> memref<128x200xi32, #tpu.memory_space<hbm>>
      tpu.wait_dma2 semaphore(%run_scoped3A : memref<!tpu.dma_semaphore, #tpu.memory_space<semaphore_mem>>) src(%dma_wait3A_14 : memref<128x200xi32, #tpu.memory_space<hbm>>) dst(%arg5 : memref<128x200xi32, #tpu.memory_space<vmem>>)
      tpu.yield
    }) : () -> ()
    %scan3A = arith.constant 0 : i32
    %scan3A_3 = arith.constant 5.000000e-03 : f32
    %scan3A_4 = arith.constant 0 : i32
    %scan3A_5 = arith.constant 32 : i32
    %scan3A_6 = arith.addi %scan3A_4, %scan3A_5 : i32
    %scan3A_7 = arith.constant 1 : i32
    scf.for %scan3A_9 = %scan3A_4 to %scan3A_6 step %scan3A_7  : i32 {
      %mul3A_10 = arith.constant 4 : i32
      %mul3A_11 = arith.muli %scan3A_9, %mul3A_10 : i32
      %add3A_12 = arith.constant 0 : i32
      %add3A_13 = arith.addi %mul3A_11, %add3A_12 : i32
      %min3A = arith.constant 127 : i32
      %min3A_14 = arith.minsi %add3A_13, %min3A : i32
      %dma_start3A = arith.constant 0 : i32
      %dma_start3A_15 = arith.constant 0 : i32
      %dma_start3A_16 = tpu.memref_slice %arg6[%dma_start3A, %dma_start3A_15] : memref<200x64xf32, #tpu.memory_space<vmem>> -> memref<128x64xf32, #tpu.memory_space<vmem>>
      %dma_start3A_17 = arith.constant 0 : i32
      %dma_start3A_18 = tpu.memref_slice %arg5[%min3A_14, %dma_start3A_17] : memref<128x200xi32, #tpu.memory_space<vmem>> -> memref<1x128xi32, #tpu.memory_space<vmem>>
      %dma_start3A_19 = tpu.memref_squeeze %dma_start3A_18 : memref<1x128xi32, #tpu.memory_space<vmem>> -> memref<128xi32, #tpu.memory_space<vmem>>
      %dma_start3A_20 = arith.constant 0 : i32
      %dma_start3A_21 = arith.constant 0 : i32
      %dma_start3A_22 = tpu.memref_slice %arg3[%dma_start3A_20, %dma_start3A_21] : memref<1015808x64xf32, #tpu.memory_space<hbm>> -> memref<1015808x64xf32, #tpu.memory_space<hbm>>
      tpu.enqueue_indirect_dma source(%dma_start3A_22 : memref<1015808x64xf32, #tpu.memory_space<hbm>>) target(%dma_start3A_16 : memref<128x64xf32, #tpu.memory_space<vmem>>) offsets(%dma_start3A_19 : memref<128xi32, #tpu.memory_space<vmem>>) semaphore(%arg11 : memref<!tpu.dma_semaphore, #tpu.memory_space<semaphore_mem>>)
      %dma_start3A_23 = arith.constant 128 : i32
      %dma_start3A_24 = arith.constant 0 : i32
      %dma_start3A_25 = tpu.memref_slice %arg6[%dma_start3A_23, %dma_start3A_24] : memref<200x64xf32, #tpu.memory_space<vmem>> -> memref<72x64xf32, #tpu.memory_space<vmem>>
      %dma_start3A_26 = arith.constant 128 : i32
      %dma_start3A_27 = tpu.memref_slice %arg5[%min3A_14, %dma_start3A_26] : memref<128x200xi32, #tpu.memory_space<vmem>> -> memref<1x72xi32, #tpu.memory_space<vmem>>
      %dma_start3A_28 = tpu.memref_squeeze %dma_start3A_27 : memref<1x72xi32, #tpu.memory_space<vmem>> -> memref<72xi32, #tpu.memory_space<vmem>>
      %dma_start3A_29 = arith.constant 0 : i32
      %dma_start3A_30 = arith.constant 0 : i32
      %dma_start3A_31 = tpu.memref_slice %arg3[%dma_start3A_29, %dma_start3A_30] : memref<1015808x64xf32, #tpu.memory_space<hbm>> -> memref<1015808x64xf32, #tpu.memory_space<hbm>>
      tpu.enqueue_indirect_dma source(%dma_start3A_31 : memref<1015808x64xf32, #tpu.memory_space<hbm>>) target(%dma_start3A_25 : memref<72x64xf32, #tpu.memory_space<vmem>>) offsets(%dma_start3A_28 : memref<72xi32, #tpu.memory_space<vmem>>) semaphore(%arg11 : memref<!tpu.dma_semaphore, #tpu.memory_space<semaphore_mem>>)
      %add3A_32 = arith.constant 1 : i32
      %add3A_33 = arith.addi %mul3A_11, %add3A_32 : i32
      %min3A_34 = arith.constant 127 : i32
      %min3A_35 = arith.minsi %add3A_33, %min3A_34 : i32
      %dma_start3A_36 = arith.constant 0 : i32
      %dma_start3A_37 = arith.constant 0 : i32
      %dma_start3A_38 = tpu.memref_slice %arg7[%dma_start3A_36, %dma_start3A_37] : memref<200x64xf32, #tpu.memory_space<vmem>> -> memref<128x64xf32, #tpu.memory_space<vmem>>
      %dma_start3A_39 = arith.constant 0 : i32
      %dma_start3A_40 = tpu.memref_slice %arg5[%min3A_35, %dma_start3A_39] : memref<128x200xi32, #tpu.memory_space<vmem>> -> memref<1x128xi32, #tpu.memory_space<vmem>>
      %dma_start3A_41 = tpu.memref_squeeze %dma_start3A_40 : memref<1x128xi32, #tpu.memory_space<vmem>> -> memref<128xi32, #tpu.memory_space<vmem>>
      %dma_start3A_42 = arith.constant 0 : i32
      %dma_start3A_43 = arith.constant 0 : i32
      %dma_start3A_44 = tpu.memref_slice %arg3[%dma_start3A_42, %dma_start3A_43] : memref<1015808x64xf32, #tpu.memory_space<hbm>> -> memref<1015808x64xf32, #tpu.memory_space<hbm>>
      tpu.enqueue_indirect_dma source(%dma_start3A_44 : memref<1015808x64xf32, #tpu.memory_space<hbm>>) target(%dma_start3A_38 : memref<128x64xf32, #tpu.memory_space<vmem>>) offsets(%dma_start3A_41 : memref<128xi32, #tpu.memory_space<vmem>>) semaphore(%arg12 : memref<!tpu.dma_semaphore, #tpu.memory_space<semaphore_mem>>)
      %dma_start3A_45 = arith.constant 128 : i32
      %dma_start3A_46 = arith.constant 0 : i32
      %dma_start3A_47 = tpu.memref_slice %arg7[%dma_start3A_45, %dma_start3A_46] : memref<200x64xf32, #tpu.memory_space<vmem>> -> memref<72x64xf32, #tpu.memory_space<vmem>>
      %dma_start3A_48 = arith.constant 128 : i32
      %dma_start3A_49 = tpu.memref_slice %arg5[%min3A_35, %dma_start3A_48] : memref<128x200xi32, #tpu.memory_space<vmem>> -> memref<1x72xi32, #tpu.memory_space<vmem>>
      %dma_start3A_50 = tpu.memref_squeeze %dma_start3A_49 : memref<1x72xi32, #tpu.memory_space<vmem>> -> memref<72xi32, #tpu.memory_space<vmem>>
      %dma_start3A_51 = arith.constant 0 : i32
      %dma_start3A_52 = arith.constant 0 : i32
      %dma_start3A_53 = tpu.memref_slice %arg3[%dma_start3A_51, %dma_start3A_52] : memref<1015808x64xf32, #tpu.memory_space<hbm>> -> memref<1015808x64xf32, #tpu.memory_space<hbm>>
      tpu.enqueue_indirect_dma source(%dma_start3A_53 : memref<1015808x64xf32, #tpu.memory_space<hbm>>) target(%dma_start3A_47 : memref<72x64xf32, #tpu.memory_space<vmem>>) offsets(%dma_start3A_50 : memref<72xi32, #tpu.memory_space<vmem>>) semaphore(%arg12 : memref<!tpu.dma_semaphore, #tpu.memory_space<semaphore_mem>>)
      %add3A_54 = arith.constant 2 : i32
      %add3A_55 = arith.addi %mul3A_11, %add3A_54 : i32
      %min3A_56 = arith.constant 127 : i32
      %min3A_57 = arith.minsi %add3A_55, %min3A_56 : i32
      %dma_start3A_58 = arith.constant 0 : i32
      %dma_start3A_59 = arith.constant 0 : i32
      %dma_start3A_60 = tpu.memref_slice %arg8[%dma_start3A_58, %dma_start3A_59] : memref<200x64xf32, #tpu.memory_space<vmem>> -> memref<128x64xf32, #tpu.memory_space<vmem>>
      %dma_start3A_61 = arith.constant 0 : i32
      %dma_start3A_62 = tpu.memref_slice %arg5[%min3A_57, %dma_start3A_61] : memref<128x200xi32, #tpu.memory_space<vmem>> -> memref<1x128xi32, #tpu.memory_space<vmem>>
      %dma_start3A_63 = tpu.memref_squeeze %dma_start3A_62 : memref<1x128xi32, #tpu.memory_space<vmem>> -> memref<128xi32, #tpu.memory_space<vmem>>
      %dma_start3A_64 = arith.constant 0 : i32
      %dma_start3A_65 = arith.constant 0 : i32
      %dma_start3A_66 = tpu.memref_slice %arg3[%dma_start3A_64, %dma_start3A_65] : memref<1015808x64xf32, #tpu.memory_space<hbm>> -> memref<1015808x64xf32, #tpu.memory_space<hbm>>
      tpu.enqueue_indirect_dma source(%dma_start3A_66 : memref<1015808x64xf32, #tpu.memory_space<hbm>>) target(%dma_start3A_60 : memref<128x64xf32, #tpu.memory_space<vmem>>) offsets(%dma_start3A_63 : memref<128xi32, #tpu.memory_space<vmem>>) semaphore(%arg13 : memref<!tpu.dma_semaphore, #tpu.memory_space<semaphore_mem>>)
      %dma_start3A_67 = arith.constant 128 : i32
      %dma_start3A_68 = arith.constant 0 : i32
      %dma_start3A_69 = tpu.memref_slice %arg8[%dma_start3A_67, %dma_start3A_68] : memref<200x64xf32, #tpu.memory_space<vmem>> -> memref<72x64xf32, #tpu.memory_space<vmem>>
      %dma_start3A_70 = arith.constant 128 : i32
      %dma_start3A_71 = tpu.memref_slice %arg5[%min3A_57, %dma_start3A_70] : memref<128x200xi32, #tpu.memory_space<vmem>> -> memref<1x72xi32, #tpu.memory_space<vmem>>
      %dma_start3A_72 = tpu.memref_squeeze %dma_start3A_71 : memref<1x72xi32, #tpu.memory_space<vmem>> -> memref<72xi32, #tpu.memory_space<vmem>>
      %dma_start3A_73 = arith.constant 0 : i32
      %dma_start3A_74 = arith.constant 0 : i32
      %dma_start3A_75 = tpu.memref_slice %arg3[%dma_start3A_73, %dma_start3A_74] : memref<1015808x64xf32, #tpu.memory_space<hbm>> -> memref<1015808x64xf32, #tpu.memory_space<hbm>>
      tpu.enqueue_indirect_dma source(%dma_start3A_75 : memref<1015808x64xf32, #tpu.memory_space<hbm>>) target(%dma_start3A_69 : memref<72x64xf32, #tpu.memory_space<vmem>>) offsets(%dma_start3A_72 : memref<72xi32, #tpu.memory_space<vmem>>) semaphore(%arg13 : memref<!tpu.dma_semaphore, #tpu.memory_space<semaphore_mem>>)
      %add3A_76 = arith.constant 3 : i32
      %add3A_77 = arith.addi %mul3A_11, %add3A_76 : i32
      %min3A_78 = arith.constant 127 : i32
      %min3A_79 = arith.minsi %add3A_77, %min3A_78 : i32
      %dma_start3A_80 = arith.constant 0 : i32
      %dma_start3A_81 = arith.constant 0 : i32
      %dma_start3A_82 = tpu.memref_slice %arg9[%dma_start3A_80, %dma_start3A_81] : memref<200x64xf32, #tpu.memory_space<vmem>> -> memref<128x64xf32, #tpu.memory_space<vmem>>
      %dma_start3A_83 = arith.constant 0 : i32
      %dma_start3A_84 = tpu.memref_slice %arg5[%min3A_79, %dma_start3A_83] : memref<128x200xi32, #tpu.memory_space<vmem>> -> memref<1x128xi32, #tpu.memory_space<vmem>>
      %dma_start3A_85 = tpu.memref_squeeze %dma_start3A_84 : memref<1x128xi32, #tpu.memory_space<vmem>> -> memref<128xi32, #tpu.memory_space<vmem>>
      %dma_start3A_86 = arith.constant 0 : i32
      %dma_start3A_87 = arith.constant 0 : i32
      %dma_start3A_88 = tpu.memref_slice %arg3[%dma_start3A_86, %dma_start3A_87] : memref<1015808x64xf32, #tpu.memory_space<hbm>> -> memref<1015808x64xf32, #tpu.memory_space<hbm>>
      tpu.enqueue_indirect_dma source(%dma_start3A_88 : memref<1015808x64xf32, #tpu.memory_space<hbm>>) target(%dma_start3A_82 : memref<128x64xf32, #tpu.memory_space<vmem>>) offsets(%dma_start3A_85 : memref<128xi32, #tpu.memory_space<vmem>>) semaphore(%arg14 : memref<!tpu.dma_semaphore, #tpu.memory_space<semaphore_mem>>)
      %dma_start3A_89 = arith.constant 128 : i32
      %dma_start3A_90 = arith.constant 0 : i32
      %dma_start3A_91 = tpu.memref_slice %arg9[%dma_start3A_89, %dma_start3A_90] : memref<200x64xf32, #tpu.memory_space<vmem>> -> memref<72x64xf32, #tpu.memory_space<vmem>>
      %dma_start3A_92 = arith.constant 128 : i32
      %dma_start3A_93 = tpu.memref_slice %arg5[%min3A_79, %dma_start3A_92] : memref<128x200xi32, #tpu.memory_space<vmem>> -> memref<1x72xi32, #tpu.memory_space<vmem>>
      %dma_start3A_94 = tpu.memref_squeeze %dma_start3A_93 : memref<1x72xi32, #tpu.memory_space<vmem>> -> memref<72xi32, #tpu.memory_space<vmem>>
      %dma_start3A_95 = arith.constant 0 : i32
      %dma_start3A_96 = arith.constant 0 : i32
      %dma_start3A_97 = tpu.memref_slice %arg3[%dma_start3A_95, %dma_start3A_96] : memref<1015808x64xf32, #tpu.memory_space<hbm>> -> memref<1015808x64xf32, #tpu.memory_space<hbm>>
      tpu.enqueue_indirect_dma source(%dma_start3A_97 : memref<1015808x64xf32, #tpu.memory_space<hbm>>) target(%dma_start3A_91 : memref<72x64xf32, #tpu.memory_space<vmem>>) offsets(%dma_start3A_94 : memref<72xi32, #tpu.memory_space<vmem>>) semaphore(%arg14 : memref<!tpu.dma_semaphore, #tpu.memory_space<semaphore_mem>>)
      %dma_wait3A = arith.constant 0 : i32
      %dma_wait3A_98 = arith.constant 0 : i32
      %dma_wait3A_99 = tpu.memref_slice %arg6[%dma_wait3A, %dma_wait3A_98] : memref<200x64xf32, #tpu.memory_space<vmem>> -> memref<128x64xf32, #tpu.memory_space<vmem>>
      %dma_wait3A_100 = arith.constant 0 : i32
      %dma_wait3A_101 = tpu.memref_slice %arg5[%min3A_14, %dma_wait3A_100] : memref<128x200xi32, #tpu.memory_space<vmem>> -> memref<1x128xi32, #tpu.memory_space<vmem>>
      %dma_wait3A_102 = tpu.memref_squeeze %dma_wait3A_101 : memref<1x128xi32, #tpu.memory_space<vmem>> -> memref<128xi32, #tpu.memory_space<vmem>>
      %dma_wait3A_103 = arith.constant 0 : i32
      %dma_wait3A_104 = arith.constant 0 : i32
      %dma_wait3A_105 = tpu.memref_slice %arg3[%dma_wait3A_103, %dma_wait3A_104] : memref<1015808x64xf32, #tpu.memory_space<hbm>> -> memref<1015808x64xf32, #tpu.memory_space<hbm>>
      tpu.wait_indirect_dma semaphore(%arg11 : memref<!tpu.dma_semaphore, #tpu.memory_space<semaphore_mem>>) src(%dma_wait3A_105 : memref<1015808x64xf32, #tpu.memory_space<hbm>>) dst(%dma_wait3A_99 : memref<128x64xf32, #tpu.memory_space<vmem>>)
      %dma_wait3A_106 = arith.constant 128 : i32
      %dma_wait3A_107 = arith.constant 0 : i32
      %dma_wait3A_108 = tpu.memref_slice %arg6[%dma_wait3A_106, %dma_wait3A_107] : memref<200x64xf32, #tpu.memory_space<vmem>> -> memref<72x64xf32, #tpu.memory_space<vmem>>
      %dma_wait3A_109 = arith.constant 128 : i32
      %dma_wait3A_110 = tpu.memref_slice %arg5[%min3A_14, %dma_wait3A_109] : memref<128x200xi32, #tpu.memory_space<vmem>> -> memref<1x72xi32, #tpu.memory_space<vmem>>
      %dma_wait3A_111 = tpu.memref_squeeze %dma_wait3A_110 : memref<1x72xi32, #tpu.memory_space<vmem>> -> memref<72xi32, #tpu.memory_space<vmem>>
      %dma_wait3A_112 = arith.constant 0 : i32
      %dma_wait3A_113 = arith.constant 0 : i32
      %dma_wait3A_114 = tpu.memref_slice %arg3[%dma_wait3A_112, %dma_wait3A_113] : memref<1015808x64xf32, #tpu.memory_space<hbm>> -> memref<1015808x64xf32, #tpu.memory_space<hbm>>
      tpu.wait_indirect_dma semaphore(%arg11 : memref<!tpu.dma_semaphore, #tpu.memory_space<semaphore_mem>>) src(%dma_wait3A_114 : memref<1015808x64xf32, #tpu.memory_space<hbm>>) dst(%dma_wait3A_108 : memref<72x64xf32, #tpu.memory_space<vmem>>)
      %add3A_115 = arith.constant 0 : i32
      %add3A_116 = arith.addi %mul3A_11, %add3A_115 : i32
      %broadcast_in_dim3A = arith.constant 0.000000e+00 : f32
      %broadcast_in_dim3A_117 = vector.broadcast %broadcast_in_dim3A : f32 to vector<16xf32>
      %broadcast_in_dim3A_118 = arith.constant 0.000000e+00 : f32
      %broadcast_in_dim3A_119 = vector.broadcast %broadcast_in_dim3A_118 : f32 to vector<16xf32>
      %broadcast_in_dim3A_120 = arith.constant 0.000000e+00 : f32
      %broadcast_in_dim3A_121 = vector.broadcast %broadcast_in_dim3A_120 : f32 to vector<16xf32>
      %broadcast_in_dim3A_122 = arith.constant 0.000000e+00 : f32
      %broadcast_in_dim3A_123 = vector.broadcast %broadcast_in_dim3A_122 : f32 to vector<16xf32>
      %scan3A_124 = arith.constant 0 : i32
      %scan3A_125 = arith.constant 200 : i32
      %scan3A_126 = arith.addi %scan3A_124, %scan3A_125 : i32
      %scan3A_127 = arith.constant 4 : i32
      %scan3A_128:4 = scf.for %scan3A_343 = %scan3A_124 to %scan3A_126 step %scan3A_127 iter_args(%scan3A_344 = %broadcast_in_dim3A_117, %scan3A_345 = %broadcast_in_dim3A_119, %scan3A_346 = %broadcast_in_dim3A_121, %scan3A_347 = %broadcast_in_dim3A_123) -> (vector<16xf32>, vector<16xf32>, vector<16xf32>, vector<16xf32>)  : i32 {
        %get3A = arith.index_cast %scan3A_343 : i32 to index
        %get3A_348 = arith.constant 0 : index
        %get3A_349 = tpu.vector_load %arg6[%get3A, %get3A_348] {strides = array<i32>} : memref<200x64xf32, #tpu.memory_space<vmem>>, vector<1x16xf32>,
        %get3A_350 = vector.shape_cast %get3A_349 : vector<1x16xf32> to vector<16xf32>
        %add3A_351 = arith.addf %scan3A_344, %get3A_350 : vector<16xf32>
        %get3A_352 = arith.index_cast %scan3A_343 : i32 to index
        %get3A_353 = arith.constant 16 : index
        %get3A_354 = tpu.vector_load %arg6[%get3A_352, %get3A_353] {strides = array<i32>} : memref<200x64xf32, #tpu.memory_space<vmem>>, vector<1x16xf32>,
        %get3A_355 = vector.shape_cast %get3A_354 : vector<1x16xf32> to vector<16xf32>
        %add3A_356 = arith.addf %scan3A_345, %get3A_355 : vector<16xf32>
        %get3A_357 = arith.index_cast %scan3A_343 : i32 to index
        %get3A_358 = arith.constant 32 : index
        %get3A_359 = tpu.vector_load %arg6[%get3A_357, %get3A_358] {strides = array<i32>} : memref<200x64xf32, #tpu.memory_space<vmem>>, vector<1x16xf32>,
        %get3A_360 = vector.shape_cast %get3A_359 : vector<1x16xf32> to vector<16xf32>
        %add3A_361 = arith.addf %scan3A_346, %get3A_360 : vector<16xf32>
        %get3A_362 = arith.index_cast %scan3A_343 : i32 to index
        %get3A_363 = arith.constant 48 : index
        %get3A_364 = tpu.vector_load %arg6[%get3A_362, %get3A_363] {strides = array<i32>} : memref<200x64xf32, #tpu.memory_space<vmem>>, vector<1x16xf32>,
        %get3A_365 = vector.shape_cast %get3A_364 : vector<1x16xf32> to vector<16xf32>
        %add3A_366 = arith.addf %scan3A_347, %get3A_365 : vector<16xf32>
        %scan3A_367 = arith.constant 1 : i32
        %scan3A_368 = arith.addi %scan3A_343, %scan3A_367 : i32
        %get3A_369 = arith.index_cast %scan3A_368 : i32 to index
        %get3A_370 = arith.constant 0 : index
        %get3A_371 = tpu.vector_load %arg6[%get3A_369, %get3A_370] {strides = array<i32>} : memref<200x64xf32, #tpu.memory_space<vmem>>, vector<1x16xf32>,
        %get3A_372 = vector.shape_cast %get3A_371 : vector<1x16xf32> to vector<16xf32>
        %add3A_373 = arith.addf %add3A_351, %get3A_372 : vector<16xf32>
        %get3A_374 = arith.index_cast %scan3A_368 : i32 to index
        %get3A_375 = arith.constant 16 : index
        %get3A_376 = tpu.vector_load %arg6[%get3A_374, %get3A_375] {strides = array<i32>} : memref<200x64xf32, #tpu.memory_space<vmem>>, vector<1x16xf32>,
        %get3A_377 = vector.shape_cast %get3A_376 : vector<1x16xf32> to vector<16xf32>
        %add3A_378 = arith.addf %add3A_356, %get3A_377 : vector<16xf32>
        %get3A_379 = arith.index_cast %scan3A_368 : i32 to index
        %get3A_380 = arith.constant 32 : index
        %get3A_381 = tpu.vector_load %arg6[%get3A_379, %get3A_380] {strides = array<i32>} : memref<200x64xf32, #tpu.memory_space<vmem>>, vector<1x16xf32>,
        %get3A_382 = vector.shape_cast %get3A_381 : vector<1x16xf32> to vector<16xf32>
        %add3A_383 = arith.addf %add3A_361, %get3A_382 : vector<16xf32>
        %get3A_384 = arith.index_cast %scan3A_368 : i32 to index
        %get3A_385 = arith.constant 48 : index
        %get3A_386 = tpu.vector_load %arg6[%get3A_384, %get3A_385] {strides = array<i32>} : memref<200x64xf32, #tpu.memory_space<vmem>>, vector<1x16xf32>,
        %get3A_387 = vector.shape_cast %get3A_386 : vector<1x16xf32> to vector<16xf32>
        %add3A_388 = arith.addf %add3A_366, %get3A_387 : vector<16xf32>
        %scan3A_389 = arith.constant 2 : i32
        %scan3A_390 = arith.addi %scan3A_343, %scan3A_389 : i32
        %get3A_391 = arith.index_cast %scan3A_390 : i32 to index
        %get3A_392 = arith.constant 0 : index
        %get3A_393 = tpu.vector_load %arg6[%get3A_391, %get3A_392] {strides = array<i32>} : memref<200x64xf32, #tpu.memory_space<vmem>>, vector<1x16xf32>,
        %get3A_394 = vector.shape_cast %get3A_393 : vector<1x16xf32> to vector<16xf32>
        %add3A_395 = arith.addf %add3A_373, %get3A_394 : vector<16xf32>
        %get3A_396 = arith.index_cast %scan3A_390 : i32 to index
        %get3A_397 = arith.constant 16 : index
        %get3A_398 = tpu.vector_load %arg6[%get3A_396, %get3A_397] {strides = array<i32>} : memref<200x64xf32, #tpu.memory_space<vmem>>, vector<1x16xf32>,
        %get3A_399 = vector.shape_cast %get3A_398 : vector<1x16xf32> to vector<16xf32>
        %add3A_400 = arith.addf %add3A_378, %get3A_399 : vector<16xf32>
        %get3A_401 = arith.index_cast %scan3A_390 : i32 to index
        %get3A_402 = arith.constant 32 : index
        %get3A_403 = tpu.vector_load %arg6[%get3A_401, %get3A_402] {strides = array<i32>} : memref<200x64xf32, #tpu.memory_space<vmem>>, vector<1x16xf32>,
        %get3A_404 = vector.shape_cast %get3A_403 : vector<1x16xf32> to vector<16xf32>
        %add3A_405 = arith.addf %add3A_383, %get3A_404 : vector<16xf32>
        %get3A_406 = arith.index_cast %scan3A_390 : i32 to index
        %get3A_407 = arith.constant 48 : index
        %get3A_408 = tpu.vector_load %arg6[%get3A_406, %get3A_407] {strides = array<i32>} : memref<200x64xf32, #tpu.memory_space<vmem>>, vector<1x16xf32>,
        %get3A_409 = vector.shape_cast %get3A_408 : vector<1x16xf32> to vector<16xf32>
        %add3A_410 = arith.addf %add3A_388, %get3A_409 : vector<16xf32>
        %scan3A_411 = arith.constant 3 : i32
        %scan3A_412 = arith.addi %scan3A_343, %scan3A_411 : i32
        %get3A_413 = arith.index_cast %scan3A_412 : i32 to index
        %get3A_414 = arith.constant 0 : index
        %get3A_415 = tpu.vector_load %arg6[%get3A_413, %get3A_414] {strides = array<i32>} : memref<200x64xf32, #tpu.memory_space<vmem>>, vector<1x16xf32>,
        %get3A_416 = vector.shape_cast %get3A_415 : vector<1x16xf32> to vector<16xf32>
        %add3A_417 = arith.addf %add3A_395, %get3A_416 : vector<16xf32>
        %get3A_418 = arith.index_cast %scan3A_412 : i32 to index
        %get3A_419 = arith.constant 16 : index
        %get3A_420 = tpu.vector_load %arg6[%get3A_418, %get3A_419] {strides = array<i32>} : memref<200x64xf32, #tpu.memory_space<vmem>>, vector<1x16xf32>,
        %get3A_421 = vector.shape_cast %get3A_420 : vector<1x16xf32> to vector<16xf32>
        %add3A_422 = arith.addf %add3A_400, %get3A_421 : vector<16xf32>
        %get3A_423 = arith.index_cast %scan3A_412 : i32 to index
        %get3A_424 = arith.constant 32 : index
        %get3A_425 = tpu.vector_load %arg6[%get3A_423, %get3A_424] {strides = array<i32>} : memref<200x64xf32, #tpu.memory_space<vmem>>, vector<1x16xf32>,
        %get3A_426 = vector.shape_cast %get3A_425 : vector<1x16xf32> to vector<16xf32>
        %add3A_427 = arith.addf %add3A_405, %get3A_426 : vector<16xf32>
        %get3A_428 = arith.index_cast %scan3A_412 : i32 to index
        %get3A_429 = arith.constant 48 : index
        %get3A_430 = tpu.vector_load %arg6[%get3A_428, %get3A_429] {strides = array<i32>} : memref<200x64xf32, #tpu.memory_space<vmem>>, vector<1x16xf32>,
        %get3A_431 = vector.shape_cast %get3A_430 : vector<1x16xf32> to vector<16xf32>
        %add3A_432 = arith.addf %add3A_410, %get3A_431 : vector<16xf32>
        scf.yield %add3A_417, %add3A_422, %add3A_427, %add3A_432 : vector<16xf32>, vector<16xf32>, vector<16xf32>, vector<16xf32>
      }
      %scan3A_129 = arith.constant 200 : i32
      %mul3A_130 = vector.broadcast %scan3A_3 : f32 to vector<16xf32>
      %mul3A_131 = arith.mulf %scan3A_128#0, %mul3A_130 : vector<16xf32>
      %swap3A = arith.index_cast %add3A_116 : i32 to index
      %swap3A_132 = arith.constant 0 : index
      %swap3A_133 = tpu.vector_load %arg10[%swap3A, %swap3A_132] {strides = array<i32>} : memref<128x64xf32, #tpu.memory_space<vmem>>, vector<1x16xf32>,
      %swap3A_134 = vector.shape_cast %swap3A_133 : vector<1x16xf32> to vector<16xf32>
      %swap3A_135 = vector.shape_cast %mul3A_131 : vector<16xf32> to vector<1x16xf32>
      tpu.vector_store %arg10[%swap3A, %swap3A_132], %swap3A_135 {strides = array<i32>} : memref<128x64xf32, #tpu.memory_space<vmem>>, vector<1x16xf32>,
      %mul3A_136 = vector.broadcast %scan3A_3 : f32 to vector<16xf32>
      %mul3A_137 = arith.mulf %scan3A_128#1, %mul3A_136 : vector<16xf32>
      %swap3A_138 = arith.index_cast %add3A_116 : i32 to index
      %swap3A_139 = arith.constant 16 : index
      %swap3A_140 = tpu.vector_load %arg10[%swap3A_138, %swap3A_139] {strides = array<i32>} : memref<128x64xf32, #tpu.memory_space<vmem>>, vector<1x16xf32>,
      %swap3A_141 = vector.shape_cast %swap3A_140 : vector<1x16xf32> to vector<16xf32>
      %swap3A_142 = vector.shape_cast %mul3A_137 : vector<16xf32> to vector<1x16xf32>
      tpu.vector_store %arg10[%swap3A_138, %swap3A_139], %swap3A_142 {strides = array<i32>} : memref<128x64xf32, #tpu.memory_space<vmem>>, vector<1x16xf32>,
      %mul3A_143 = vector.broadcast %scan3A_3 : f32 to vector<16xf32>
      %mul3A_144 = arith.mulf %scan3A_128#2, %mul3A_143 : vector<16xf32>
      %swap3A_145 = arith.index_cast %add3A_116 : i32 to index
      %swap3A_146 = arith.constant 32 : index
      %swap3A_147 = tpu.vector_load %arg10[%swap3A_145, %swap3A_146] {strides = array<i32>} : memref<128x64xf32, #tpu.memory_space<vmem>>, vector<1x16xf32>,
      %swap3A_148 = vector.shape_cast %swap3A_147 : vector<1x16xf32> to vector<16xf32>
      %swap3A_149 = vector.shape_cast %mul3A_144 : vector<16xf32> to vector<1x16xf32>
      tpu.vector_store %arg10[%swap3A_145, %swap3A_146], %swap3A_149 {strides = array<i32>} : memref<128x64xf32, #tpu.memory_space<vmem>>, vector<1x16xf32>,
      %mul3A_150 = vector.broadcast %scan3A_3 : f32 to vector<16xf32>
      %mul3A_151 = arith.mulf %scan3A_128#3, %mul3A_150 : vector<16xf32>
      %swap3A_152 = arith.index_cast %add3A_116 : i32 to index
      %swap3A_153 = arith.constant 48 : index
      %swap3A_154 = tpu.vector_load %arg10[%swap3A_152, %swap3A_153] {strides = array<i32>} : memref<128x64xf32, #tpu.memory_space<vmem>>, vector<1x16xf32>,
      %swap3A_155 = vector.shape_cast %swap3A_154 : vector<1x16xf32> to vector<16xf32>
      %swap3A_156 = vector.shape_cast %mul3A_151 : vector<16xf32> to vector<1x16xf32>
      tpu.vector_store %arg10[%swap3A_152, %swap3A_153], %swap3A_156 {strides = array<i32>} : memref<128x64xf32, #tpu.memory_space<vmem>>, vector<1x16xf32>,
      %dma_wait3A_157 = arith.constant 0 : i32
      %dma_wait3A_158 = arith.constant 0 : i32
      %dma_wait3A_159 = tpu.memref_slice %arg7[%dma_wait3A_157, %dma_wait3A_158] : memref<200x64xf32, #tpu.memory_space<vmem>> -> memref<128x64xf32, #tpu.memory_space<vmem>>
      %dma_wait3A_160 = arith.constant 0 : i32
      %dma_wait3A_161 = tpu.memref_slice %arg5[%min3A_35, %dma_wait3A_160] : memref<128x200xi32, #tpu.memory_space<vmem>> -> memref<1x128xi32, #tpu.memory_space<vmem>>
      %dma_wait3A_162 = tpu.memref_squeeze %dma_wait3A_161 : memref<1x128xi32, #tpu.memory_space<vmem>> -> memref<128xi32, #tpu.memory_space<vmem>>
      %dma_wait3A_163 = arith.constant 0 : i32
      %dma_wait3A_164 = arith.constant 0 : i32
      %dma_wait3A_165 = tpu.memref_slice %arg3[%dma_wait3A_163, %dma_wait3A_164] : memref<1015808x64xf32, #tpu.memory_space<hbm>> -> memref<1015808x64xf32, #tpu.memory_space<hbm>>
      tpu.wait_indirect_dma semaphore(%arg12 : memref<!tpu.dma_semaphore, #tpu.memory_space<semaphore_mem>>) src(%dma_wait3A_165 : memref<1015808x64xf32, #tpu.memory_space<hbm>>) dst(%dma_wait3A_159 : memref<128x64xf32, #tpu.memory_space<vmem>>)
      %dma_wait3A_166 = arith.constant 128 : i32
      %dma_wait3A_167 = arith.constant 0 : i32
      %dma_wait3A_168 = tpu.memref_slice %arg7[%dma_wait3A_166, %dma_wait3A_167] : memref<200x64xf32, #tpu.memory_space<vmem>> -> memref<72x64xf32, #tpu.memory_space<vmem>>
      %dma_wait3A_169 = arith.constant 128 : i32
      %dma_wait3A_170 = tpu.memref_slice %arg5[%min3A_35, %dma_wait3A_169] : memref<128x200xi32, #tpu.memory_space<vmem>> -> memref<1x72xi32, #tpu.memory_space<vmem>>
      %dma_wait3A_171 = tpu.memref_squeeze %dma_wait3A_170 : memref<1x72xi32, #tpu.memory_space<vmem>> -> memref<72xi32, #tpu.memory_space<vmem>>
      %dma_wait3A_172 = arith.constant 0 : i32
      %dma_wait3A_173 = arith.constant 0 : i32
      %dma_wait3A_174 = tpu.memref_slice %arg3[%dma_wait3A_172, %dma_wait3A_173] : memref<1015808x64xf32, #tpu.memory_space<hbm>> -> memref<1015808x64xf32, #tpu.memory_space<hbm>>
      tpu.wait_indirect_dma semaphore(%arg12 : memref<!tpu.dma_semaphore, #tpu.memory_space<semaphore_mem>>) src(%dma_wait3A_174 : memref<1015808x64xf32, #tpu.memory_space<hbm>>) dst(%dma_wait3A_168 : memref<72x64xf32, #tpu.memory_space<vmem>>)
      %add3A_175 = arith.constant 1 : i32
      %add3A_176 = arith.addi %mul3A_11, %add3A_175 : i32
      %broadcast_in_dim3A_177 = arith.constant 0.000000e+00 : f32
      %broadcast_in_dim3A_178 = vector.broadcast %broadcast_in_dim3A_177 : f32 to vector<16xf32>
      %broadcast_in_dim3A_179 = arith.constant 0.000000e+00 : f32
      %broadcast_in_dim3A_180 = vector.broadcast %broadcast_in_dim3A_179 : f32 to vector<16xf32>
      %broadcast_in_dim3A_181 = arith.constant 0.000000e+00 : f32
      %broadcast_in_dim3A_182 = vector.broadcast %broadcast_in_dim3A_181 : f32 to vector<16xf32>
      %broadcast_in_dim3A_183 = arith.constant 0.000000e+00 : f32
      %broadcast_in_dim3A_184 = vector.broadcast %broadcast_in_dim3A_183 : f32 to vector<16xf32>
      %scan3A_185 = arith.constant 0 : i32
      %scan3A_186 = arith.constant 200 : i32
      %scan3A_187 = arith.addi %scan3A_185, %scan3A_186 : i32
      %scan3A_188 = arith.constant 4 : i32
      %scan3A_189:4 = scf.for %scan3A_343 = %scan3A_185 to %scan3A_187 step %scan3A_188 iter_args(%scan3A_344 = %broadcast_in_dim3A_178, %scan3A_345 = %broadcast_in_dim3A_180, %scan3A_346 = %broadcast_in_dim3A_182, %scan3A_347 = %broadcast_in_dim3A_184) -> (vector<16xf32>, vector<16xf32>, vector<16xf32>, vector<16xf32>)  : i32 {
        %get3A = arith.index_cast %scan3A_343 : i32 to index
        %get3A_348 = arith.constant 0 : index
        %get3A_349 = tpu.vector_load %arg7[%get3A, %get3A_348] {strides = array<i32>} : memref<200x64xf32, #tpu.memory_space<vmem>>, vector<1x16xf32>,
        %get3A_350 = vector.shape_cast %get3A_349 : vector<1x16xf32> to vector<16xf32>
        %add3A_351 = arith.addf %scan3A_344, %get3A_350 : vector<16xf32>
        %get3A_352 = arith.index_cast %scan3A_343 : i32 to index
        %get3A_353 = arith.constant 16 : index
        %get3A_354 = tpu.vector_load %arg7[%get3A_352, %get3A_353] {strides = array<i32>} : memref<200x64xf32, #tpu.memory_space<vmem>>, vector<1x16xf32>,
        %get3A_355 = vector.shape_cast %get3A_354 : vector<1x16xf32> to vector<16xf32>
        %add3A_356 = arith.addf %scan3A_345, %get3A_355 : vector<16xf32>
        %get3A_357 = arith.index_cast %scan3A_343 : i32 to index
        %get3A_358 = arith.constant 32 : index
        %get3A_359 = tpu.vector_load %arg7[%get3A_357, %get3A_358] {strides = array<i32>} : memref<200x64xf32, #tpu.memory_space<vmem>>, vector<1x16xf32>,
        %get3A_360 = vector.shape_cast %get3A_359 : vector<1x16xf32> to vector<16xf32>
        %add3A_361 = arith.addf %scan3A_346, %get3A_360 : vector<16xf32>
        %get3A_362 = arith.index_cast %scan3A_343 : i32 to index
        %get3A_363 = arith.constant 48 : index
        %get3A_364 = tpu.vector_load %arg7[%get3A_362, %get3A_363] {strides = array<i32>} : memref<200x64xf32, #tpu.memory_space<vmem>>, vector<1x16xf32>,
        %get3A_365 = vector.shape_cast %get3A_364 : vector<1x16xf32> to vector<16xf32>
        %add3A_366 = arith.addf %scan3A_347, %get3A_365 : vector<16xf32>
        %scan3A_367 = arith.constant 1 : i32
        %scan3A_368 = arith.addi %scan3A_343, %scan3A_367 : i32
        %get3A_369 = arith.index_cast %scan3A_368 : i32 to index
        %get3A_370 = arith.constant 0 : index
        %get3A_371 = tpu.vector_load %arg7[%get3A_369, %get3A_370] {strides = array<i32>} : memref<200x64xf32, #tpu.memory_space<vmem>>, vector<1x16xf32>,
        %get3A_372 = vector.shape_cast %get3A_371 : vector<1x16xf32> to vector<16xf32>
        %add3A_373 = arith.addf %add3A_351, %get3A_372 : vector<16xf32>
        %get3A_374 = arith.index_cast %scan3A_368 : i32 to index
        %get3A_375 = arith.constant 16 : index
        %get3A_376 = tpu.vector_load %arg7[%get3A_374, %get3A_375] {strides = array<i32>} : memref<200x64xf32, #tpu.memory_space<vmem>>, vector<1x16xf32>,
        %get3A_377 = vector.shape_cast %get3A_376 : vector<1x16xf32> to vector<16xf32>
        %add3A_378 = arith.addf %add3A_356, %get3A_377 : vector<16xf32>
        %get3A_379 = arith.index_cast %scan3A_368 : i32 to index
        %get3A_380 = arith.constant 32 : index
        %get3A_381 = tpu.vector_load %arg7[%get3A_379, %get3A_380] {strides = array<i32>} : memref<200x64xf32, #tpu.memory_space<vmem>>, vector<1x16xf32>,
        %get3A_382 = vector.shape_cast %get3A_381 : vector<1x16xf32> to vector<16xf32>
        %add3A_383 = arith.addf %add3A_361, %get3A_382 : vector<16xf32>
        %get3A_384 = arith.index_cast %scan3A_368 : i32 to index
        %get3A_385 = arith.constant 48 : index
        %get3A_386 = tpu.vector_load %arg7[%get3A_384, %get3A_385] {strides = array<i32>} : memref<200x64xf32, #tpu.memory_space<vmem>>, vector<1x16xf32>,
        %get3A_387 = vector.shape_cast %get3A_386 : vector<1x16xf32> to vector<16xf32>
        %add3A_388 = arith.addf %add3A_366, %get3A_387 : vector<16xf32>
        %scan3A_389 = arith.constant 2 : i32
        %scan3A_390 = arith.addi %scan3A_343, %scan3A_389 : i32
        %get3A_391 = arith.index_cast %scan3A_390 : i32 to index
        %get3A_392 = arith.constant 0 : index
        %get3A_393 = tpu.vector_load %arg7[%get3A_391, %get3A_392] {strides = array<i32>} : memref<200x64xf32, #tpu.memory_space<vmem>>, vector<1x16xf32>,
        %get3A_394 = vector.shape_cast %get3A_393 : vector<1x16xf32> to vector<16xf32>
        %add3A_395 = arith.addf %add3A_373, %get3A_394 : vector<16xf32>
        %get3A_396 = arith.index_cast %scan3A_390 : i32 to index
        %get3A_397 = arith.constant 16 : index
        %get3A_398 = tpu.vector_load %arg7[%get3A_396, %get3A_397] {strides = array<i32>} : memref<200x64xf32, #tpu.memory_space<vmem>>, vector<1x16xf32>,
        %get3A_399 = vector.shape_cast %get3A_398 : vector<1x16xf32> to vector<16xf32>
        %add3A_400 = arith.addf %add3A_378, %get3A_399 : vector<16xf32>
        %get3A_401 = arith.index_cast %scan3A_390 : i32 to index
        %get3A_402 = arith.constant 32 : index
        %get3A_403 = tpu.vector_load %arg7[%get3A_401, %get3A_402] {strides = array<i32>} : memref<200x64xf32, #tpu.memory_space<vmem>>, vector<1x16xf32>,
        %get3A_404 = vector.shape_cast %get3A_403 : vector<1x16xf32> to vector<16xf32>
        %add3A_405 = arith.addf %add3A_383, %get3A_404 : vector<16xf32>
        %get3A_406 = arith.index_cast %scan3A_390 : i32 to index
        %get3A_407 = arith.constant 48 : index
        %get3A_408 = tpu.vector_load %arg7[%get3A_406, %get3A_407] {strides = array<i32>} : memref<200x64xf32, #tpu.memory_space<vmem>>, vector<1x16xf32>,
        %get3A_409 = vector.shape_cast %get3A_408 : vector<1x16xf32> to vector<16xf32>
        %add3A_410 = arith.addf %add3A_388, %get3A_409 : vector<16xf32>
        %scan3A_411 = arith.constant 3 : i32
        %scan3A_412 = arith.addi %scan3A_343, %scan3A_411 : i32
        %get3A_413 = arith.index_cast %scan3A_412 : i32 to index
        %get3A_414 = arith.constant 0 : index
        %get3A_415 = tpu.vector_load %arg7[%get3A_413, %get3A_414] {strides = array<i32>} : memref<200x64xf32, #tpu.memory_space<vmem>>, vector<1x16xf32>,
        %get3A_416 = vector.shape_cast %get3A_415 : vector<1x16xf32> to vector<16xf32>
        %add3A_417 = arith.addf %add3A_395, %get3A_416 : vector<16xf32>
        %get3A_418 = arith.index_cast %scan3A_412 : i32 to index
        %get3A_419 = arith.constant 16 : index
        %get3A_420 = tpu.vector_load %arg7[%get3A_418, %get3A_419] {strides = array<i32>} : memref<200x64xf32, #tpu.memory_space<vmem>>, vector<1x16xf32>,
        %get3A_421 = vector.shape_cast %get3A_420 : vector<1x16xf32> to vector<16xf32>
        %add3A_422 = arith.addf %add3A_400, %get3A_421 : vector<16xf32>
        %get3A_423 = arith.index_cast %scan3A_412 : i32 to index
        %get3A_424 = arith.constant 32 : index
        %get3A_425 = tpu.vector_load %arg7[%get3A_423, %get3A_424] {strides = array<i32>} : memref<200x64xf32, #tpu.memory_space<vmem>>, vector<1x16xf32>,
        %get3A_426 = vector.shape_cast %get3A_425 : vector<1x16xf32> to vector<16xf32>
        %add3A_427 = arith.addf %add3A_405, %get3A_426 : vector<16xf32>
        %get3A_428 = arith.index_cast %scan3A_412 : i32 to index
        %get3A_429 = arith.constant 48 : index
        %get3A_430 = tpu.vector_load %arg7[%get3A_428, %get3A_429] {strides = array<i32>} : memref<200x64xf32, #tpu.memory_space<vmem>>, vector<1x16xf32>,
        %get3A_431 = vector.shape_cast %get3A_430 : vector<1x16xf32> to vector<16xf32>
        %add3A_432 = arith.addf %add3A_410, %get3A_431 : vector<16xf32>
        scf.yield %add3A_417, %add3A_422, %add3A_427, %add3A_432 : vector<16xf32>, vector<16xf32>, vector<16xf32>, vector<16xf32>
      }
      %scan3A_190 = arith.constant 200 : i32
      %mul3A_191 = vector.broadcast %scan3A_3 : f32 to vector<16xf32>
      %mul3A_192 = arith.mulf %scan3A_189#0, %mul3A_191 : vector<16xf32>
      %swap3A_193 = arith.index_cast %add3A_176 : i32 to index
      %swap3A_194 = arith.constant 0 : index
      %swap3A_195 = tpu.vector_load %arg10[%swap3A_193, %swap3A_194] {strides = array<i32>} : memref<128x64xf32, #tpu.memory_space<vmem>>, vector<1x16xf32>,
      %swap3A_196 = vector.shape_cast %swap3A_195 : vector<1x16xf32> to vector<16xf32>
      %swap3A_197 = vector.shape_cast %mul3A_192 : vector<16xf32> to vector<1x16xf32>
      tpu.vector_store %arg10[%swap3A_193, %swap3A_194], %swap3A_197 {strides = array<i32>} : memref<128x64xf32, #tpu.memory_space<vmem>>, vector<1x16xf32>,
      %mul3A_198 = vector.broadcast %scan3A_3 : f32 to vector<16xf32>
      %mul3A_199 = arith.mulf %scan3A_189#1, %mul3A_198 : vector<16xf32>
      %swap3A_200 = arith.index_cast %add3A_176 : i32 to index
      %swap3A_201 = arith.constant 16 : index
      %swap3A_202 = tpu.vector_load %arg10[%swap3A_200, %swap3A_201] {strides = array<i32>} : memref<128x64xf32, #tpu.memory_space<vmem>>, vector<1x16xf32>,
      %swap3A_203 = vector.shape_cast %swap3A_202 : vector<1x16xf32> to vector<16xf32>
      %swap3A_204 = vector.shape_cast %mul3A_199 : vector<16xf32> to vector<1x16xf32>
      tpu.vector_store %arg10[%swap3A_200, %swap3A_201], %swap3A_204 {strides = array<i32>} : memref<128x64xf32, #tpu.memory_space<vmem>>, vector<1x16xf32>,
      %mul3A_205 = vector.broadcast %scan3A_3 : f32 to vector<16xf32>
      %mul3A_206 = arith.mulf %scan3A_189#2, %mul3A_205 : vector<16xf32>
      %swap3A_207 = arith.index_cast %add3A_176 : i32 to index
      %swap3A_208 = arith.constant 32 : index
      %swap3A_209 = tpu.vector_load %arg10[%swap3A_207, %swap3A_208] {strides = array<i32>} : memref<128x64xf32, #tpu.memory_space<vmem>>, vector<1x16xf32>,
      %swap3A_210 = vector.shape_cast %swap3A_209 : vector<1x16xf32> to vector<16xf32>
      %swap3A_211 = vector.shape_cast %mul3A_206 : vector<16xf32> to vector<1x16xf32>
      tpu.vector_store %arg10[%swap3A_207, %swap3A_208], %swap3A_211 {strides = array<i32>} : memref<128x64xf32, #tpu.memory_space<vmem>>, vector<1x16xf32>,
      %mul3A_212 = vector.broadcast %scan3A_3 : f32 to vector<16xf32>
      %mul3A_213 = arith.mulf %scan3A_189#3, %mul3A_212 : vector<16xf32>
      %swap3A_214 = arith.index_cast %add3A_176 : i32 to index
      %swap3A_215 = arith.constant 48 : index
      %swap3A_216 = tpu.vector_load %arg10[%swap3A_214, %swap3A_215] {strides = array<i32>} : memref<128x64xf32, #tpu.memory_space<vmem>>, vector<1x16xf32>,
      %swap3A_217 = vector.shape_cast %swap3A_216 : vector<1x16xf32> to vector<16xf32>
      %swap3A_218 = vector.shape_cast %mul3A_213 : vector<16xf32> to vector<1x16xf32>
      tpu.vector_store %arg10[%swap3A_214, %swap3A_215], %swap3A_218 {strides = array<i32>} : memref<128x64xf32, #tpu.memory_space<vmem>>, vector<1x16xf32>,
      %dma_wait3A_219 = arith.constant 0 : i32
      %dma_wait3A_220 = arith.constant 0 : i32
      %dma_wait3A_221 = tpu.memref_slice %arg8[%dma_wait3A_219, %dma_wait3A_220] : memref<200x64xf32, #tpu.memory_space<vmem>> -> memref<128x64xf32, #tpu.memory_space<vmem>>
      %dma_wait3A_222 = arith.constant 0 : i32
      %dma_wait3A_223 = tpu.memref_slice %arg5[%min3A_57, %dma_wait3A_222] : memref<128x200xi32, #tpu.memory_space<vmem>> -> memref<1x128xi32, #tpu.memory_space<vmem>>
      %dma_wait3A_224 = tpu.memref_squeeze %dma_wait3A_223 : memref<1x128xi32, #tpu.memory_space<vmem>> -> memref<128xi32, #tpu.memory_space<vmem>>
      %dma_wait3A_225 = arith.constant 0 : i32
      %dma_wait3A_226 = arith.constant 0 : i32
      %dma_wait3A_227 = tpu.memref_slice %arg3[%dma_wait3A_225, %dma_wait3A_226] : memref<1015808x64xf32, #tpu.memory_space<hbm>> -> memref<1015808x64xf32, #tpu.memory_space<hbm>>
      tpu.wait_indirect_dma semaphore(%arg13 : memref<!tpu.dma_semaphore, #tpu.memory_space<semaphore_mem>>) src(%dma_wait3A_227 : memref<1015808x64xf32, #tpu.memory_space<hbm>>) dst(%dma_wait3A_221 : memref<128x64xf32, #tpu.memory_space<vmem>>)
      %dma_wait3A_228 = arith.constant 128 : i32
      %dma_wait3A_229 = arith.constant 0 : i32
      %dma_wait3A_230 = tpu.memref_slice %arg8[%dma_wait3A_228, %dma_wait3A_229] : memref<200x64xf32, #tpu.memory_space<vmem>> -> memref<72x64xf32, #tpu.memory_space<vmem>>
      %dma_wait3A_231 = arith.constant 128 : i32
      %dma_wait3A_232 = tpu.memref_slice %arg5[%min3A_57, %dma_wait3A_231] : memref<128x200xi32, #tpu.memory_space<vmem>> -> memref<1x72xi32, #tpu.memory_space<vmem>>
      %dma_wait3A_233 = tpu.memref_squeeze %dma_wait3A_232 : memref<1x72xi32, #tpu.memory_space<vmem>> -> memref<72xi32, #tpu.memory_space<vmem>>
      %dma_wait3A_234 = arith.constant 0 : i32
      %dma_wait3A_235 = arith.constant 0 : i32
      %dma_wait3A_236 = tpu.memref_slice %arg3[%dma_wait3A_234, %dma_wait3A_235] : memref<1015808x64xf32, #tpu.memory_space<hbm>> -> memref<1015808x64xf32, #tpu.memory_space<hbm>>
      tpu.wait_indirect_dma semaphore(%arg13 : memref<!tpu.dma_semaphore, #tpu.memory_space<semaphore_mem>>) src(%dma_wait3A_236 : memref<1015808x64xf32, #tpu.memory_space<hbm>>) dst(%dma_wait3A_230 : memref<72x64xf32, #tpu.memory_space<vmem>>)
      %add3A_237 = arith.constant 2 : i32
      %add3A_238 = arith.addi %mul3A_11, %add3A_237 : i32
      %broadcast_in_dim3A_239 = arith.constant 0.000000e+00 : f32
      %broadcast_in_dim3A_240 = vector.broadcast %broadcast_in_dim3A_239 : f32 to vector<16xf32>
      %broadcast_in_dim3A_241 = arith.constant 0.000000e+00 : f32
      %broadcast_in_dim3A_242 = vector.broadcast %broadcast_in_dim3A_241 : f32 to vector<16xf32>
      %broadcast_in_dim3A_243 = arith.constant 0.000000e+00 : f32
      %broadcast_in_dim3A_244 = vector.broadcast %broadcast_in_dim3A_243 : f32 to vector<16xf32>
      %broadcast_in_dim3A_245 = arith.constant 0.000000e+00 : f32
      %broadcast_in_dim3A_246 = vector.broadcast %broadcast_in_dim3A_245 : f32 to vector<16xf32>
      %scan3A_247 = arith.constant 0 : i32
      %scan3A_248 = arith.constant 200 : i32
      %scan3A_249 = arith.addi %scan3A_247, %scan3A_248 : i32
      %scan3A_250 = arith.constant 4 : i32
      %scan3A_251:4 = scf.for %scan3A_343 = %scan3A_247 to %scan3A_249 step %scan3A_250 iter_args(%scan3A_344 = %broadcast_in_dim3A_240, %scan3A_345 = %broadcast_in_dim3A_242, %scan3A_346 = %broadcast_in_dim3A_244, %scan3A_347 = %broadcast_in_dim3A_246) -> (vector<16xf32>, vector<16xf32>, vector<16xf32>, vector<16xf32>)  : i32 {
        %get3A = arith.index_cast %scan3A_343 : i32 to index
        %get3A_348 = arith.constant 0 : index
        %get3A_349 = tpu.vector_load %arg8[%get3A, %get3A_348] {strides = array<i32>} : memref<200x64xf32, #tpu.memory_space<vmem>>, vector<1x16xf32>,
        %get3A_350 = vector.shape_cast %get3A_349 : vector<1x16xf32> to vector<16xf32>
        %add3A_351 = arith.addf %scan3A_344, %get3A_350 : vector<16xf32>
        %get3A_352 = arith.index_cast %scan3A_343 : i32 to index
        %get3A_353 = arith.constant 16 : index
        %get3A_354 = tpu.vector_load %arg8[%get3A_352, %get3A_353] {strides = array<i32>} : memref<200x64xf32, #tpu.memory_space<vmem>>, vector<1x16xf32>,
        %get3A_355 = vector.shape_cast %get3A_354 : vector<1x16xf32> to vector<16xf32>
        %add3A_356 = arith.addf %scan3A_345, %get3A_355 : vector<16xf32>
        %get3A_357 = arith.index_cast %scan3A_343 : i32 to index
        %get3A_358 = arith.constant 32 : index
        %get3A_359 = tpu.vector_load %arg8[%get3A_357, %get3A_358] {strides = array<i32>} : memref<200x64xf32, #tpu.memory_space<vmem>>, vector<1x16xf32>,
        %get3A_360 = vector.shape_cast %get3A_359 : vector<1x16xf32> to vector<16xf32>
        %add3A_361 = arith.addf %scan3A_346, %get3A_360 : vector<16xf32>
        %get3A_362 = arith.index_cast %scan3A_343 : i32 to index
        %get3A_363 = arith.constant 48 : index
        %get3A_364 = tpu.vector_load %arg8[%get3A_362, %get3A_363] {strides = array<i32>} : memref<200x64xf32, #tpu.memory_space<vmem>>, vector<1x16xf32>,
        %get3A_365 = vector.shape_cast %get3A_364 : vector<1x16xf32> to vector<16xf32>
        %add3A_366 = arith.addf %scan3A_347, %get3A_365 : vector<16xf32>
        %scan3A_367 = arith.constant 1 : i32
        %scan3A_368 = arith.addi %scan3A_343, %scan3A_367 : i32
        %get3A_369 = arith.index_cast %scan3A_368 : i32 to index
        %get3A_370 = arith.constant 0 : index
        %get3A_371 = tpu.vector_load %arg8[%get3A_369, %get3A_370] {strides = array<i32>} : memref<200x64xf32, #tpu.memory_space<vmem>>, vector<1x16xf32>,
        %get3A_372 = vector.shape_cast %get3A_371 : vector<1x16xf32> to vector<16xf32>
        %add3A_373 = arith.addf %add3A_351, %get3A_372 : vector<16xf32>
        %get3A_374 = arith.index_cast %scan3A_368 : i32 to index
        %get3A_375 = arith.constant 16 : index
        %get3A_376 = tpu.vector_load %arg8[%get3A_374, %get3A_375] {strides = array<i32>} : memref<200x64xf32, #tpu.memory_space<vmem>>, vector<1x16xf32>,
        %get3A_377 = vector.shape_cast %get3A_376 : vector<1x16xf32> to vector<16xf32>
        %add3A_378 = arith.addf %add3A_356, %get3A_377 : vector<16xf32>
        %get3A_379 = arith.index_cast %scan3A_368 : i32 to index
        %get3A_380 = arith.constant 32 : index
        %get3A_381 = tpu.vector_load %arg8[%get3A_379, %get3A_380] {strides = array<i32>} : memref<200x64xf32, #tpu.memory_space<vmem>>, vector<1x16xf32>,
        %get3A_382 = vector.shape_cast %get3A_381 : vector<1x16xf32> to vector<16xf32>
        %add3A_383 = arith.addf %add3A_361, %get3A_382 : vector<16xf32>
        %get3A_384 = arith.index_cast %scan3A_368 : i32 to index
        %get3A_385 = arith.constant 48 : index
        %get3A_386 = tpu.vector_load %arg8[%get3A_384, %get3A_385] {strides = array<i32>} : memref<200x64xf32, #tpu.memory_space<vmem>>, vector<1x16xf32>,
        %get3A_387 = vector.shape_cast %get3A_386 : vector<1x16xf32> to vector<16xf32>
        %add3A_388 = arith.addf %add3A_366, %get3A_387 : vector<16xf32>
        %scan3A_389 = arith.constant 2 : i32
        %scan3A_390 = arith.addi %scan3A_343, %scan3A_389 : i32
        %get3A_391 = arith.index_cast %scan3A_390 : i32 to index
        %get3A_392 = arith.constant 0 : index
        %get3A_393 = tpu.vector_load %arg8[%get3A_391, %get3A_392] {strides = array<i32>} : memref<200x64xf32, #tpu.memory_space<vmem>>, vector<1x16xf32>,
        %get3A_394 = vector.shape_cast %get3A_393 : vector<1x16xf32> to vector<16xf32>
        %add3A_395 = arith.addf %add3A_373, %get3A_394 : vector<16xf32>
        %get3A_396 = arith.index_cast %scan3A_390 : i32 to index
        %get3A_397 = arith.constant 16 : index
        %get3A_398 = tpu.vector_load %arg8[%get3A_396, %get3A_397] {strides = array<i32>} : memref<200x64xf32, #tpu.memory_space<vmem>>, vector<1x16xf32>,
        %get3A_399 = vector.shape_cast %get3A_398 : vector<1x16xf32> to vector<16xf32>
        %add3A_400 = arith.addf %add3A_378, %get3A_399 : vector<16xf32>
        %get3A_401 = arith.index_cast %scan3A_390 : i32 to index
        %get3A_402 = arith.constant 32 : index
        %get3A_403 = tpu.vector_load %arg8[%get3A_401, %get3A_402] {strides = array<i32>} : memref<200x64xf32, #tpu.memory_space<vmem>>, vector<1x16xf32>,
        %get3A_404 = vector.shape_cast %get3A_403 : vector<1x16xf32> to vector<16xf32>
        %add3A_405 = arith.addf %add3A_383, %get3A_404 : vector<16xf32>
        %get3A_406 = arith.index_cast %scan3A_390 : i32 to index
        %get3A_407 = arith.constant 48 : index
        %get3A_408 = tpu.vector_load %arg8[%get3A_406, %get3A_407] {strides = array<i32>} : memref<200x64xf32, #tpu.memory_space<vmem>>, vector<1x16xf32>,
        %get3A_409 = vector.shape_cast %get3A_408 : vector<1x16xf32> to vector<16xf32>
        %add3A_410 = arith.addf %add3A_388, %get3A_409 : vector<16xf32>
        %scan3A_411 = arith.constant 3 : i32
        %scan3A_412 = arith.addi %scan3A_343, %scan3A_411 : i32
        %get3A_413 = arith.index_cast %scan3A_412 : i32 to index
        %get3A_414 = arith.constant 0 : index
        %get3A_415 = tpu.vector_load %arg8[%get3A_413, %get3A_414] {strides = array<i32>} : memref<200x64xf32, #tpu.memory_space<vmem>>, vector<1x16xf32>,
        %get3A_416 = vector.shape_cast %get3A_415 : vector<1x16xf32> to vector<16xf32>
        %add3A_417 = arith.addf %add3A_395, %get3A_416 : vector<16xf32>
        %get3A_418 = arith.index_cast %scan3A_412 : i32 to index
        %get3A_419 = arith.constant 16 : index
        %get3A_420 = tpu.vector_load %arg8[%get3A_418, %get3A_419] {strides = array<i32>} : memref<200x64xf32, #tpu.memory_space<vmem>>, vector<1x16xf32>,
        %get3A_421 = vector.shape_cast %get3A_420 : vector<1x16xf32> to vector<16xf32>
        %add3A_422 = arith.addf %add3A_400, %get3A_421 : vector<16xf32>
        %get3A_423 = arith.index_cast %scan3A_412 : i32 to index
        %get3A_424 = arith.constant 32 : index
        %get3A_425 = tpu.vector_load %arg8[%get3A_423, %get3A_424] {strides = array<i32>} : memref<200x64xf32, #tpu.memory_space<vmem>>, vector<1x16xf32>,
        %get3A_426 = vector.shape_cast %get3A_425 : vector<1x16xf32> to vector<16xf32>
        %add3A_427 = arith.addf %add3A_405, %get3A_426 : vector<16xf32>
        %get3A_428 = arith.index_cast %scan3A_412 : i32 to index
        %get3A_429 = arith.constant 48 : index
        %get3A_430 = tpu.vector_load %arg8[%get3A_428, %get3A_429] {strides = array<i32>} : memref<200x64xf32, #tpu.memory_space<vmem>>, vector<1x16xf32>,
        %get3A_431 = vector.shape_cast %get3A_430 : vector<1x16xf32> to vector<16xf32>
        %add3A_432 = arith.addf %add3A_410, %get3A_431 : vector<16xf32>
        scf.yield %add3A_417, %add3A_422, %add3A_427, %add3A_432 : vector<16xf32>, vector<16xf32>, vector<16xf32>, vector<16xf32>
      }
      %scan3A_252 = arith.constant 200 : i32
      %mul3A_253 = vector.broadcast %scan3A_3 : f32 to vector<16xf32>
      %mul3A_254 = arith.mulf %scan3A_251#0, %mul3A_253 : vector<16xf32>
      %swap3A_255 = arith.index_cast %add3A_238 : i32 to index
      %swap3A_256 = arith.constant 0 : index
      %swap3A_257 = tpu.vector_load %arg10[%swap3A_255, %swap3A_256] {strides = array<i32>} : memref<128x64xf32, #tpu.memory_space<vmem>>, vector<1x16xf32>,
      %swap3A_258 = vector.shape_cast %swap3A_257 : vector<1x16xf32> to vector<16xf32>
      %swap3A_259 = vector.shape_cast %mul3A_254 : vector<16xf32> to vector<1x16xf32>
      tpu.vector_store %arg10[%swap3A_255, %swap3A_256], %swap3A_259 {strides = array<i32>} : memref<128x64xf32, #tpu.memory_space<vmem>>, vector<1x16xf32>,
      %mul3A_260 = vector.broadcast %scan3A_3 : f32 to vector<16xf32>
      %mul3A_261 = arith.mulf %scan3A_251#1, %mul3A_260 : vector<16xf32>
      %swap3A_262 = arith.index_cast %add3A_238 : i32 to index
      %swap3A_263 = arith.constant 16 : index
      %swap3A_264 = tpu.vector_load %arg10[%swap3A_262, %swap3A_263] {strides = array<i32>} : memref<128x64xf32, #tpu.memory_space<vmem>>, vector<1x16xf32>,
      %swap3A_265 = vector.shape_cast %swap3A_264 : vector<1x16xf32> to vector<16xf32>
      %swap3A_266 = vector.shape_cast %mul3A_261 : vector<16xf32> to vector<1x16xf32>
      tpu.vector_store %arg10[%swap3A_262, %swap3A_263], %swap3A_266 {strides = array<i32>} : memref<128x64xf32, #tpu.memory_space<vmem>>, vector<1x16xf32>,
      %mul3A_267 = vector.broadcast %scan3A_3 : f32 to vector<16xf32>
      %mul3A_268 = arith.mulf %scan3A_251#2, %mul3A_267 : vector<16xf32>
      %swap3A_269 = arith.index_cast %add3A_238 : i32 to index
      %swap3A_270 = arith.constant 32 : index
      %swap3A_271 = tpu.vector_load %arg10[%swap3A_269, %swap3A_270] {strides = array<i32>} : memref<128x64xf32, #tpu.memory_space<vmem>>, vector<1x16xf32>,
      %swap3A_272 = vector.shape_cast %swap3A_271 : vector<1x16xf32> to vector<16xf32>
      %swap3A_273 = vector.shape_cast %mul3A_268 : vector<16xf32> to vector<1x16xf32>
      tpu.vector_store %arg10[%swap3A_269, %swap3A_270], %swap3A_273 {strides = array<i32>} : memref<128x64xf32, #tpu.memory_space<vmem>>, vector<1x16xf32>,
      %mul3A_274 = vector.broadcast %scan3A_3 : f32 to vector<16xf32>
      %mul3A_275 = arith.mulf %scan3A_251#3, %mul3A_274 : vector<16xf32>
      %swap3A_276 = arith.index_cast %add3A_238 : i32 to index
      %swap3A_277 = arith.constant 48 : index
      %swap3A_278 = tpu.vector_load %arg10[%swap3A_276, %swap3A_277] {strides = array<i32>} : memref<128x64xf32, #tpu.memory_space<vmem>>, vector<1x16xf32>,
      %swap3A_279 = vector.shape_cast %swap3A_278 : vector<1x16xf32> to vector<16xf32>
      %swap3A_280 = vector.shape_cast %mul3A_275 : vector<16xf32> to vector<1x16xf32>
      tpu.vector_store %arg10[%swap3A_276, %swap3A_277], %swap3A_280 {strides = array<i32>} : memref<128x64xf32, #tpu.memory_space<vmem>>, vector<1x16xf32>,
      %dma_wait3A_281 = arith.constant 0 : i32
      %dma_wait3A_282 = arith.constant 0 : i32
      %dma_wait3A_283 = tpu.memref_slice %arg9[%dma_wait3A_281, %dma_wait3A_282] : memref<200x64xf32, #tpu.memory_space<vmem>> -> memref<128x64xf32, #tpu.memory_space<vmem>>
      %dma_wait3A_284 = arith.constant 0 : i32
      %dma_wait3A_285 = tpu.memref_slice %arg5[%min3A_79, %dma_wait3A_284] : memref<128x200xi32, #tpu.memory_space<vmem>> -> memref<1x128xi32, #tpu.memory_space<vmem>>
      %dma_wait3A_286 = tpu.memref_squeeze %dma_wait3A_285 : memref<1x128xi32, #tpu.memory_space<vmem>> -> memref<128xi32, #tpu.memory_space<vmem>>
      %dma_wait3A_287 = arith.constant 0 : i32
      %dma_wait3A_288 = arith.constant 0 : i32
      %dma_wait3A_289 = tpu.memref_slice %arg3[%dma_wait3A_287, %dma_wait3A_288] : memref<1015808x64xf32, #tpu.memory_space<hbm>> -> memref<1015808x64xf32, #tpu.memory_space<hbm>>
      tpu.wait_indirect_dma semaphore(%arg14 : memref<!tpu.dma_semaphore, #tpu.memory_space<semaphore_mem>>) src(%dma_wait3A_289 : memref<1015808x64xf32, #tpu.memory_space<hbm>>) dst(%dma_wait3A_283 : memref<128x64xf32, #tpu.memory_space<vmem>>)
      %dma_wait3A_290 = arith.constant 128 : i32
      %dma_wait3A_291 = arith.constant 0 : i32
      %dma_wait3A_292 = tpu.memref_slice %arg9[%dma_wait3A_290, %dma_wait3A_291] : memref<200x64xf32, #tpu.memory_space<vmem>> -> memref<72x64xf32, #tpu.memory_space<vmem>>
      %dma_wait3A_293 = arith.constant 128 : i32
      %dma_wait3A_294 = tpu.memref_slice %arg5[%min3A_79, %dma_wait3A_293] : memref<128x200xi32, #tpu.memory_space<vmem>> -> memref<1x72xi32, #tpu.memory_space<vmem>>
      %dma_wait3A_295 = tpu.memref_squeeze %dma_wait3A_294 : memref<1x72xi32, #tpu.memory_space<vmem>> -> memref<72xi32, #tpu.memory_space<vmem>>
      %dma_wait3A_296 = arith.constant 0 : i32
      %dma_wait3A_297 = arith.constant 0 : i32
      %dma_wait3A_298 = tpu.memref_slice %arg3[%dma_wait3A_296, %dma_wait3A_297] : memref<1015808x64xf32, #tpu.memory_space<hbm>> -> memref<1015808x64xf32, #tpu.memory_space<hbm>>
      tpu.wait_indirect_dma semaphore(%arg14 : memref<!tpu.dma_semaphore, #tpu.memory_space<semaphore_mem>>) src(%dma_wait3A_298 : memref<1015808x64xf32, #tpu.memory_space<hbm>>) dst(%dma_wait3A_292 : memref<72x64xf32, #tpu.memory_space<vmem>>)
      %add3A_299 = arith.constant 3 : i32
      %add3A_300 = arith.addi %mul3A_11, %add3A_299 : i32
      %broadcast_in_dim3A_301 = arith.constant 0.000000e+00 : f32
      %broadcast_in_dim3A_302 = vector.broadcast %broadcast_in_dim3A_301 : f32 to vector<16xf32>
      %broadcast_in_dim3A_303 = arith.constant 0.000000e+00 : f32
      %broadcast_in_dim3A_304 = vector.broadcast %broadcast_in_dim3A_303 : f32 to vector<16xf32>
      %broadcast_in_dim3A_305 = arith.constant 0.000000e+00 : f32
      %broadcast_in_dim3A_306 = vector.broadcast %broadcast_in_dim3A_305 : f32 to vector<16xf32>
      %broadcast_in_dim3A_307 = arith.constant 0.000000e+00 : f32
      %broadcast_in_dim3A_308 = vector.broadcast %broadcast_in_dim3A_307 : f32 to vector<16xf32>
      %scan3A_309 = arith.constant 0 : i32
      %scan3A_310 = arith.constant 200 : i32
      %scan3A_311 = arith.addi %scan3A_309, %scan3A_310 : i32
      %scan3A_312 = arith.constant 4 : i32
      %scan3A_313:4 = scf.for %scan3A_343 = %scan3A_309 to %scan3A_311 step %scan3A_312 iter_args(%scan3A_344 = %broadcast_in_dim3A_302, %scan3A_345 = %broadcast_in_dim3A_304, %scan3A_346 = %broadcast_in_dim3A_306, %scan3A_347 = %broadcast_in_dim3A_308) -> (vector<16xf32>, vector<16xf32>, vector<16xf32>, vector<16xf32>)  : i32 {
        %get3A = arith.index_cast %scan3A_343 : i32 to index
        %get3A_348 = arith.constant 0 : index
        %get3A_349 = tpu.vector_load %arg9[%get3A, %get3A_348] {strides = array<i32>} : memref<200x64xf32, #tpu.memory_space<vmem>>, vector<1x16xf32>,
        %get3A_350 = vector.shape_cast %get3A_349 : vector<1x16xf32> to vector<16xf32>
        %add3A_351 = arith.addf %scan3A_344, %get3A_350 : vector<16xf32>
        %get3A_352 = arith.index_cast %scan3A_343 : i32 to index
        %get3A_353 = arith.constant 16 : index
        %get3A_354 = tpu.vector_load %arg9[%get3A_352, %get3A_353] {strides = array<i32>} : memref<200x64xf32, #tpu.memory_space<vmem>>, vector<1x16xf32>,
        %get3A_355 = vector.shape_cast %get3A_354 : vector<1x16xf32> to vector<16xf32>
        %add3A_356 = arith.addf %scan3A_345, %get3A_355 : vector<16xf32>
        %get3A_357 = arith.index_cast %scan3A_343 : i32 to index
        %get3A_358 = arith.constant 32 : index
        %get3A_359 = tpu.vector_load %arg9[%get3A_357, %get3A_358] {strides = array<i32>} : memref<200x64xf32, #tpu.memory_space<vmem>>, vector<1x16xf32>,
        %get3A_360 = vector.shape_cast %get3A_359 : vector<1x16xf32> to vector<16xf32>
        %add3A_361 = arith.addf %scan3A_346, %get3A_360 : vector<16xf32>
        %get3A_362 = arith.index_cast %scan3A_343 : i32 to index
        %get3A_363 = arith.constant 48 : index
        %get3A_364 = tpu.vector_load %arg9[%get3A_362, %get3A_363] {strides = array<i32>} : memref<200x64xf32, #tpu.memory_space<vmem>>, vector<1x16xf32>,
        %get3A_365 = vector.shape_cast %get3A_364 : vector<1x16xf32> to vector<16xf32>
        %add3A_366 = arith.addf %scan3A_347, %get3A_365 : vector<16xf32>
        %scan3A_367 = arith.constant 1 : i32
        %scan3A_368 = arith.addi %scan3A_343, %scan3A_367 : i32
        %get3A_369 = arith.index_cast %scan3A_368 : i32 to index
        %get3A_370 = arith.constant 0 : index
        %get3A_371 = tpu.vector_load %arg9[%get3A_369, %get3A_370] {strides = array<i32>} : memref<200x64xf32, #tpu.memory_space<vmem>>, vector<1x16xf32>,
        %get3A_372 = vector.shape_cast %get3A_371 : vector<1x16xf32> to vector<16xf32>
        %add3A_373 = arith.addf %add3A_351, %get3A_372 : vector<16xf32>
        %get3A_374 = arith.index_cast %scan3A_368 : i32 to index
        %get3A_375 = arith.constant 16 : index
        %get3A_376 = tpu.vector_load %arg9[%get3A_374, %get3A_375] {strides = array<i32>} : memref<200x64xf32, #tpu.memory_space<vmem>>, vector<1x16xf32>,
        %get3A_377 = vector.shape_cast %get3A_376 : vector<1x16xf32> to vector<16xf32>
        %add3A_378 = arith.addf %add3A_356, %get3A_377 : vector<16xf32>
        %get3A_379 = arith.index_cast %scan3A_368 : i32 to index
        %get3A_380 = arith.constant 32 : index
        %get3A_381 = tpu.vector_load %arg9[%get3A_379, %get3A_380] {strides = array<i32>} : memref<200x64xf32, #tpu.memory_space<vmem>>, vector<1x16xf32>,
        %get3A_382 = vector.shape_cast %get3A_381 : vector<1x16xf32> to vector<16xf32>
        %add3A_383 = arith.addf %add3A_361, %get3A_382 : vector<16xf32>
        %get3A_384 = arith.index_cast %scan3A_368 : i32 to index
        %get3A_385 = arith.constant 48 : index
        %get3A_386 = tpu.vector_load %arg9[%get3A_384, %get3A_385] {strides = array<i32>} : memref<200x64xf32, #tpu.memory_space<vmem>>, vector<1x16xf32>,
        %get3A_387 = vector.shape_cast %get3A_386 : vector<1x16xf32> to vector<16xf32>
        %add3A_388 = arith.addf %add3A_366, %get3A_387 : vector<16xf32>
        %scan3A_389 = arith.constant 2 : i32
        %scan3A_390 = arith.addi %scan3A_343, %scan3A_389 : i32
        %get3A_391 = arith.index_cast %scan3A_390 : i32 to index
        %get3A_392 = arith.constant 0 : index
        %get3A_393 = tpu.vector_load %arg9[%get3A_391, %get3A_392] {strides = array<i32>} : memref<200x64xf32, #tpu.memory_space<vmem>>, vector<1x16xf32>,
        %get3A_394 = vector.shape_cast %get3A_393 : vector<1x16xf32> to vector<16xf32>
        %add3A_395 = arith.addf %add3A_373, %get3A_394 : vector<16xf32>
        %get3A_396 = arith.index_cast %scan3A_390 : i32 to index
        %get3A_397 = arith.constant 16 : index
        %get3A_398 = tpu.vector_load %arg9[%get3A_396, %get3A_397] {strides = array<i32>} : memref<200x64xf32, #tpu.memory_space<vmem>>, vector<1x16xf32>,
        %get3A_399 = vector.shape_cast %get3A_398 : vector<1x16xf32> to vector<16xf32>
        %add3A_400 = arith.addf %add3A_378, %get3A_399 : vector<16xf32>
        %get3A_401 = arith.index_cast %scan3A_390 : i32 to index
        %get3A_402 = arith.constant 32 : index
        %get3A_403 = tpu.vector_load %arg9[%get3A_401, %get3A_402] {strides = array<i32>} : memref<200x64xf32, #tpu.memory_space<vmem>>, vector<1x16xf32>,
        %get3A_404 = vector.shape_cast %get3A_403 : vector<1x16xf32> to vector<16xf32>
        %add3A_405 = arith.addf %add3A_383, %get3A_404 : vector<16xf32>
        %get3A_406 = arith.index_cast %scan3A_390 : i32 to index
        %get3A_407 = arith.constant 48 : index
        %get3A_408 = tpu.vector_load %arg9[%get3A_406, %get3A_407] {strides = array<i32>} : memref<200x64xf32, #tpu.memory_space<vmem>>, vector<1x16xf32>,
        %get3A_409 = vector.shape_cast %get3A_408 : vector<1x16xf32> to vector<16xf32>
        %add3A_410 = arith.addf %add3A_388, %get3A_409 : vector<16xf32>
        %scan3A_411 = arith.constant 3 : i32
        %scan3A_412 = arith.addi %scan3A_343, %scan3A_411 : i32
        %get3A_413 = arith.index_cast %scan3A_412 : i32 to index
        %get3A_414 = arith.constant 0 : index
        %get3A_415 = tpu.vector_load %arg9[%get3A_413, %get3A_414] {strides = array<i32>} : memref<200x64xf32, #tpu.memory_space<vmem>>, vector<1x16xf32>,
        %get3A_416 = vector.shape_cast %get3A_415 : vector<1x16xf32> to vector<16xf32>
        %add3A_417 = arith.addf %add3A_395, %get3A_416 : vector<16xf32>
        %get3A_418 = arith.index_cast %scan3A_412 : i32 to index
        %get3A_419 = arith.constant 16 : index
        %get3A_420 = tpu.vector_load %arg9[%get3A_418, %get3A_419] {strides = array<i32>} : memref<200x64xf32, #tpu.memory_space<vmem>>, vector<1x16xf32>,
        %get3A_421 = vector.shape_cast %get3A_420 : vector<1x16xf32> to vector<16xf32>
        %add3A_422 = arith.addf %add3A_400, %get3A_421 : vector<16xf32>
        %get3A_423 = arith.index_cast %scan3A_412 : i32 to index
        %get3A_424 = arith.constant 32 : index
        %get3A_425 = tpu.vector_load %arg9[%get3A_423, %get3A_424] {strides = array<i32>} : memref<200x64xf32, #tpu.memory_space<vmem>>, vector<1x16xf32>,
        %get3A_426 = vector.shape_cast %get3A_425 : vector<1x16xf32> to vector<16xf32>
        %add3A_427 = arith.addf %add3A_405, %get3A_426 : vector<16xf32>
        %get3A_428 = arith.index_cast %scan3A_412 : i32 to index
        %get3A_429 = arith.constant 48 : index
        %get3A_430 = tpu.vector_load %arg9[%get3A_428, %get3A_429] {strides = array<i32>} : memref<200x64xf32, #tpu.memory_space<vmem>>, vector<1x16xf32>,
        %get3A_431 = vector.shape_cast %get3A_430 : vector<1x16xf32> to vector<16xf32>
        %add3A_432 = arith.addf %add3A_410, %get3A_431 : vector<16xf32>
        scf.yield %add3A_417, %add3A_422, %add3A_427, %add3A_432 : vector<16xf32>, vector<16xf32>, vector<16xf32>, vector<16xf32>
      }
      %scan3A_314 = arith.constant 200 : i32
      %mul3A_315 = vector.broadcast %scan3A_3 : f32 to vector<16xf32>
      %mul3A_316 = arith.mulf %scan3A_313#0, %mul3A_315 : vector<16xf32>
      %swap3A_317 = arith.index_cast %add3A_300 : i32 to index
      %swap3A_318 = arith.constant 0 : index
      %swap3A_319 = tpu.vector_load %arg10[%swap3A_317, %swap3A_318] {strides = array<i32>} : memref<128x64xf32, #tpu.memory_space<vmem>>, vector<1x16xf32>,
      %swap3A_320 = vector.shape_cast %swap3A_319 : vector<1x16xf32> to vector<16xf32>
      %swap3A_321 = vector.shape_cast %mul3A_316 : vector<16xf32> to vector<1x16xf32>
      tpu.vector_store %arg10[%swap3A_317, %swap3A_318], %swap3A_321 {strides = array<i32>} : memref<128x64xf32, #tpu.memory_space<vmem>>, vector<1x16xf32>,
      %mul3A_322 = vector.broadcast %scan3A_3 : f32 to vector<16xf32>
      %mul3A_323 = arith.mulf %scan3A_313#1, %mul3A_322 : vector<16xf32>
      %swap3A_324 = arith.index_cast %add3A_300 : i32 to index
      %swap3A_325 = arith.constant 16 : index
      %swap3A_326 = tpu.vector_load %arg10[%swap3A_324, %swap3A_325] {strides = array<i32>} : memref<128x64xf32, #tpu.memory_space<vmem>>, vector<1x16xf32>,
      %swap3A_327 = vector.shape_cast %swap3A_326 : vector<1x16xf32> to vector<16xf32>
      %swap3A_328 = vector.shape_cast %mul3A_323 : vector<16xf32> to vector<1x16xf32>
      tpu.vector_store %arg10[%swap3A_324, %swap3A_325], %swap3A_328 {strides = array<i32>} : memref<128x64xf32, #tpu.memory_space<vmem>>, vector<1x16xf32>,
      %mul3A_329 = vector.broadcast %scan3A_3 : f32 to vector<16xf32>
      %mul3A_330 = arith.mulf %scan3A_313#2, %mul3A_329 : vector<16xf32>
      %swap3A_331 = arith.index_cast %add3A_300 : i32 to index
      %swap3A_332 = arith.constant 32 : index
      %swap3A_333 = tpu.vector_load %arg10[%swap3A_331, %swap3A_332] {strides = array<i32>} : memref<128x64xf32, #tpu.memory_space<vmem>>, vector<1x16xf32>,
      %swap3A_334 = vector.shape_cast %swap3A_333 : vector<1x16xf32> to vector<16xf32>
      %swap3A_335 = vector.shape_cast %mul3A_330 : vector<16xf32> to vector<1x16xf32>
      tpu.vector_store %arg10[%swap3A_331, %swap3A_332], %swap3A_335 {strides = array<i32>} : memref<128x64xf32, #tpu.memory_space<vmem>>, vector<1x16xf32>,
      %mul3A_336 = vector.broadcast %scan3A_3 : f32 to vector<16xf32>
      %mul3A_337 = arith.mulf %scan3A_313#3, %mul3A_336 : vector<16xf32>
      %swap3A_338 = arith.index_cast %add3A_300 : i32 to index
      %swap3A_339 = arith.constant 48 : index
      %swap3A_340 = tpu.vector_load %arg10[%swap3A_338, %swap3A_339] {strides = array<i32>} : memref<128x64xf32, #tpu.memory_space<vmem>>, vector<1x16xf32>,
      %swap3A_341 = vector.shape_cast %swap3A_340 : vector<1x16xf32> to vector<16xf32>
      %swap3A_342 = vector.shape_cast %mul3A_337 : vector<16xf32> to vector<1x16xf32>
      tpu.vector_store %arg10[%swap3A_338, %swap3A_339], %swap3A_342 {strides = array<i32>} : memref<128x64xf32, #tpu.memory_space<vmem>>, vector<1x16xf32>,
    }
    %scan3A_8 = arith.constant 32 : i32
    "tpu.region"() ({
      %run_scoped3A = tpu.sem_alloc : memref<!tpu.dma_semaphore, #tpu.memory_space<semaphore_mem>>
      %dma_start3A = arith.constant 0 : i32
      %dma_start3A_9 = tpu.memref_slice %arg4[%mul3A_2, %dma_start3A] : memref<4096x64xf32, #tpu.memory_space<hbm>> -> memref<128x64xf32, #tpu.memory_space<hbm>>
      %dma_start3A_10 = arith.constant 0 : i32
      %dma_start3A_11 = tpu.memref_slice %arg4[%mul3A_2, %dma_start3A_10] : memref<4096x64xf32, #tpu.memory_space<hbm>> -> memref<128x64xf32, #tpu.memory_space<hbm>>
      tpu.enqueue_dma source(%arg10 : memref<128x64xf32, #tpu.memory_space<vmem>>) target(%dma_start3A_11 : memref<128x64xf32, #tpu.memory_space<hbm>>) target_semaphore(%run_scoped3A : memref<!tpu.dma_semaphore, #tpu.memory_space<semaphore_mem>>)
      %dma_wait3A = arith.constant 0 : i32
      %dma_wait3A_12 = tpu.memref_slice %arg4[%mul3A_2, %dma_wait3A] : memref<4096x64xf32, #tpu.memory_space<hbm>> -> memref<128x64xf32, #tpu.memory_space<hbm>>
      %dma_wait3A_13 = arith.constant 0 : i32
      %dma_wait3A_14 = tpu.memref_slice %arg4[%mul3A_2, %dma_wait3A_13] : memref<4096x64xf32, #tpu.memory_space<hbm>> -> memref<128x64xf32, #tpu.memory_space<hbm>>
      tpu.wait_dma2 semaphore(%run_scoped3A : memref<!tpu.dma_semaphore, #tpu.memory_space<semaphore_mem>>) src(%arg10 : memref<128x64xf32, #tpu.memory_space<vmem>>) dst(%dma_wait3A_14 : memref<128x64xf32, #tpu.memory_space<hbm>>)
      tpu.yield
    }) : () -> ()
    return
  }
}

</mosaic_0001>

<sc_bundles>
// kernel: _pool.3.cloned.1.call-start
scs
__scs_entry_jumppad:
0x0: {  	(pc) =	sbr.rel $0x88, $3  }
0x1: {  	(tag) =	ssettag $0x0;
	lr =	simm.s32 $0x1  }
0x2: {  	[smem:$0x3F9F] =	sst lr;
	_ =	strace $0xD0000000  }
0x3: {  	_ = 	snop  }
0x4: {  	_ = 	snop  }
0x5: {  	_ = 	snop  }
0x6: {  	_ = 	snop  }
0x7: {  	_ = 	snop  }
__scs_overlays_trampoline_lowered:
0x8: {  	[smem:$0x3FAE] =	sst s0  }
0x9: {  	[smem:$0x3FAF] =	sst s1  }
0xa: {  	[smem:$0x3FB0] =	sst s2  }
0xb: {  	[smem:$0x3FB1] =	sst s3  }
0xc: {  	[smem:$0x3FB2] =	sst s4  }
0xd: {  	[smem:$0x3FB3] =	sst s5  }
0xe: {  	[smem:$0x3FB4] =	sst s6  }
0xf: {  	[smem:$0x3FB5] =	sst s7  }
0x10: {  	[smem:$0x3FB6] =	sst s8  }
0x11: {  	[smem:$0x3FB7] =	sst s9;
	s0 =	simm.s32 @!p0 $0x0  }
0x12: {  	s1 =	sld [smem:$0x3F9D];
	s0 =	simm.s32 @p0 $0x1  }
0x13: {  	[smem:$0x3FB8] =	sst s0;
	s0 =	simm.s32 @!p1 $0x0  }
0x14: {  	s2 =	sld [smem:$0x3F9C];
	s0 =	simm.s32 @p1 $0x1  }
0x15: {  	[smem:$0x3FB9] =	sst s0;
	s0 =	simm.s32 @!p2 $0x0  }
0x16: {  	s3 =	sld [smem:$0x3FDB];
	s0 =	simm.s32 @p2 $0x1  }
0x17: {  	s4 =	simm.s32 $0x1BF5;
	[smem:$0x3FBB] =	sst s0  }
0x18: {  	s0 =	sld [smem:$0x3F9E];
	_ =	swait.ge [sflag:s4], $0x0  }
0x19: {  	s7 =	sld [smem:$0x3F9F]  }
0x1a: {  	s8 =	sadd.s32 $0xFFFFE003, lr  }
0x1b: {  	s9 =	sadd.s32 $0xFFFFFEF7, lr;
	s5 =	simm.s32 $0xFFFFFFFF;
	p2 =	slt.u32 s8, $0xFFFFF086  }
0x1c: {  	p1 =	slt.u32 s9, $0xF7A;
	s5 =	simm.s32 @!p2 $0x0  }
0x1d: {  	s5 =	simm.s32 @p1 $0x1;
	p0 =	seq.s32 s7, s2  }
0x1e: {  	s7 =	smul.u32 @!p0 $0xF7A, s2;
	p2 =	seq.s32 @!p0 s5, $0x0  }
0x1f: {  	s9 =	smul.u32 $0xF7A, s1;
	s8 =	simm.s32 @!p0 $0x1BF5;
	p2 =	por !p2, p0  }
0x20: {  	[sflag:s8] =	ssyncset.s32 @!p0 $0xFFFFF086;
	s6 =	sadd.s32 @!p0 s3, s7;
	s7 =	simm.s32 @!p0 $0x108  }
0x21: {  	s3 =	sadd.s32 s3, s9;
	s6 =	sadd.s32 @!p0 $0x88, s6;
	s7 =	simm.s32 @p2 $0x1082  }
0x22: {  	[simem:s7], [sflag:s8] =	dma.local @!p0 [hbm:s6], $0xF7A  }
0x23: {  	s9 =	sor.u32 $0xD0000000, s2;
	s6 =	simm.s32 $0x108;
	_ =	swait.ge @!p0 [sflag:s8], $0x0  }
0x24: {  	s3 =	sadd.s32 $0x88, s3;
	s6 =	simm.s32 @!p1 $0x1082;
	[sflag:s4] =	ssyncset.s32 $0xFFFFF086  }
0x25: {  	[simem:s6], [sflag:s4] =	dma.local [hbm:s3], $0xF7A  }
0x26: {  	[smem:$0x3F9F] =	sst s1;
	(tag) =	ssettag s2;
	_ =	strace s9  }
0x27: {  	s1 =	sld [smem:$0x3FAF]  }
0x28: {  	s2 =	sld [smem:$0x3FB0]  }
0x29: {  	s4 =	sld [smem:$0x3FB2]  }
0x2a: {  	p0 =	seq.s32 s5, $0x0;
	s5 =	sld [smem:$0x3FB3]  }
0x2b: {  	s6 =	sld [smem:$0x3FB4]  }
0x2c: {  	s7 =	sld [smem:$0x3FB5]  }
0x2d: {  	s3 =	simm.s32 $0x108;
	s8 =	sld [smem:$0x3FB6]  }
0x2e: {  	s3 =	simm.s32 @!p0 $0x1082;
	s9 =	sld [smem:$0x3FB7]  }
0x2f: {  	lr =	sadd.s32 s0, s3;
	s0 =	sld [smem:$0x3FAE]  }
0x30: {  	s3 =	sld [smem:$0x3FB1]  }
0x31: {  	[smem:$0x3FBA] =	sst s10  }
0x32: {  	s10 =	sld [smem:$0x3FB8];
	_ =	sdelay $0x3  }
0x33: {  	p0 =	seq.s32 s10, $0x1;
	s10 =	sld [smem:$0x3FBA];
	_ =	sdelay $0x3  }
0x34: {  	[smem:$0x3FBA] =	sst s10  }
0x35: {  	s10 =	sld [smem:$0x3FB9];
	_ =	sdelay $0x3  }
0x36: {  	p1 =	seq.s32 s10, $0x1;
	s10 =	sld [smem:$0x3FBA];
	_ =	sdelay $0x3  }
0x37: {  	[smem:$0x3FBA] =	sst s10  }
0x38: {  	s10 =	sld [smem:$0x3FBB]  }
0x39: {  	_ = 	snop;
	(pc) =	sbr.ind lr, $3  }
0x3a: {  	_ = 	snop  }
0x3b: {  	_ = 	snop  }
0x3c: {  	p2 =	seq.s32 s10, $0x1;
	s10 =	sld [smem:$0x3FBA]  }
0x3d: {  	_ =	shalt  }
0x3e: {  	_ =	shalt  }
0x3f: {  	_ =	shalt  }
0x40: {  	_ =	shalt  }
0x41: {  	_ =	shalt  }
0x42: {  	_ =	shalt  }
0x43: {  	_ =	shalt  }
0x44: {  	_ =	shalt  }
0x45: {  	_ =	shalt  }
0x46: {  	_ =	shalt  }
0x47: {  	_ =	shalt  }
0x48: {  	_ =	shalt  }
0x49: {  	_ =	shalt  }
0x4a: {  	_ =	shalt  }
0x4b: {  	_ =	shalt  }
0x4c: {  	_ =	shalt  }
0x4d: {  	_ =	shalt  }
0x4e: {  	_ =	shalt  }
0x4f: {  	_ =	shalt  }
0x50: {  	_ =	shalt  }
0x51: {  	_ =	shalt  }
0x52: {  	_ =	shalt  }
0x53: {  	_ =	shalt  }
0x54: {  	_ =	shalt  }
0x55: {  	_ =	shalt  }
0x56: {  	_ =	shalt  }
0x57: {  	_ =	shalt  }
0x58: {  	_ =	shalt  }
0x59: {  	_ =	shalt  }
0x5a: {  	_ =	shalt  }
0x5b: {  	_ =	shalt  }
0x5c: {  	_ =	shalt  }
0x5d: {  	_ =	shalt  }
0x5e: {  	_ =	shalt  }
0x5f: {  	_ =	shalt  }
0x60: {  	_ =	shalt  }
0x61: {  	_ =	shalt  }
0x62: {  	_ =	shalt  }
0x63: {  	_ =	shalt  }
0x64: {  	_ =	shalt  }
0x65: {  	_ =	shalt  }
0x66: {  	_ =	shalt  }
0x67: {  	_ =	shalt  }
0x68: {  	_ =	shalt  }
0x69: {  	_ =	shalt  }
0x6a: {  	_ =	shalt  }
0x6b: {  	_ =	shalt  }
0x6c: {  	_ =	shalt  }
0x6d: {  	_ =	shalt  }
0x6e: {  	_ =	shalt  }
0x6f: {  	_ =	shalt  }
0x70: {  	_ =	shalt  }
0x71: {  	_ =	shalt  }
0x72: {  	_ =	shalt  }
0x73: {  	_ =	shalt  }
0x74: {  	_ =	shalt  }
0x75: {  	_ =	shalt  }
0x76: {  	_ =	shalt  }
0x77: {  	_ =	shalt  }
0x78: {  	_ =	shalt  }
0x79: {  	_ =	shalt  }
0x7a: {  	_ =	shalt  }
0x7b: {  	_ =	shalt  }
0x7c: {  	_ =	shalt  }
0x7d: {  	_ =	shalt  }
0x7e: {  	_ =	shalt  }
0x7f: {  	_ =	shalt  }
0x80: {  	_ =	shalt  }
0x81: {  	_ =	shalt  }
0x82: {  	_ =	shalt  }
0x83: {  	_ =	shalt  }
0x84: {  	_ =	shalt  }
0x85: {  	_ =	shalt  }
0x86: {  	_ =	shalt  }
0x87: {  	_ =	shalt  }
.Lfunc_end0:
.L_simem_size_0:
called_computation_lowered:
.L_overlay_start_0:
0x88: {  	s2 =	sld [smem:$0x3FD9]  }
0x89: {  	s3 =	sld [smem:$0x3FFE];
	_ =	sdelay $0x1  }
0x8a: {  	s1 =	srdreg.scid  }
0x8b: {  	s0 =	sand.u32 $0x1, s1  }
0x8c: {  	s17 =	sshll.u32 s0, $0xA;
	s2 =	sadd.s32 s3, s2  }
0x8d: {  	s2 =	sadd.s32 s2, s17  }
0x8e: {  	[smem:$0x3FC6] =	sst s2  }
0x8f: {  	_ = 	snop  }
0x90: {  	s2 =	sld [smem:$0x3FD0];
	(tm) =	ssettm $0x1  }
0x91: {  	s18 =	sld [smem:$0x3FFB];
	_ =	sdelay $0x3  }
0x92: {  	_ =	strace s18  }
0x93: {  	s3 =	sld [smem:$0x3FFC];
	_ =	sdelay $0x3  }
0x94: {  	_ =	strace s3  }
0x95: {  	s3 =	sld [smem:$0x3FFD];
	_ =	sdelay $0x3  }
0x96: {  	_ =	strace s3  }
0x97: {  	_ =	strace $0x8FFFFFFF  }
0x98: {  	s19 =	sld [smem:$0x3FDB];
	_ =	sdelay $0x1  }
0x99: {  	s4 =	simm.s32 $_scs_section_size  }
0x9a: {  	s5 =	simm.s32 $_size__tile_overlayer_lowered;
	s6 =	simm.s32 $_tile_overlayer_lowered  }
0x9b: {  	s22 =	simm.s32 $0x1BFF;
	s21 =	sshll.u32 s6, $0x1;
	s3 =	sadd.s32 s4, s19  }
0x9c: {  	s7 =	simm.s32 $0x0;
	s20 =	sshll.u32 s5, $0x1;
	s5 =	sadd.s32 s21, s3  }
0x9d: {  	[timem:s7], [sflag:s22] =	dma.local [hbm:s5], s20  }
0x9e: {  	_ =	swait.ge [sflag:s22], s20  }
0x9f: {  	s4 =	ssub.s32 $0x0, s20;
	[sflag:s22] =	ssyncset.done $0x0  }
0xa0: {  	[sflag:s22] =	ssyncadd.s32 s4;
	_ =	sdelay $0x1  }
0xa1: {  	s23 =	simm.s32 $0x1B8B  }
0xa2: {  	_ =	swait.ge [sflag:s23], $0x1  }
0xa3: {  	[sflag:s23] =	ssyncset.done $0x0  }
0xa4: {  	s25 =	simm.s32 $0x1B8E;
	s24 =	sld [smem:$0x3FFE];
	[sflag:s23] =	ssyncadd.s32 $0xFFFFFFFF  }
0xa5: {  	s26 =	simm.s32 $execute0_lowered;
	[smem:$0x3FD2] =	sst s25  }
0xa6: {  	s5 =	sshll.u32 s26, $0x1;
	_ =	strace $0x80000046;
	[dreg:$0x1] =	wrdreg $0xFFFFFFFF  }
0xa7: {  	s28 =	simm.s32 $_size_execute0_lowered;
	s3 =	sadd.s32 s3, s5;
	[dreg:$0x0] =	wrdreg $0x0  }
0xa8: {  	s5 =	sshll.u32 s28, $0x1;
	[dreg:$0x2] =	wrdreg s3  }
0xa9: {  	[dreg:$0x3] =	wrdreg s5  }
0xaa: {  	[dreg:$0x4] =	wrdreg $0xC0  }
0xab: {  	_ =	task [dreg:s7], $0x5FFFF  }
0xac: {  	[dreg:$0x1] =	wrdreg $0xFFFFFFFF  }
0xad: {  	[dreg:$0x0] =	wrdreg $0x60  }
0xae: {  	[dreg:$0x2] =	wrdreg s24  }
0xaf: {  	[dreg:$0x3] =	wrdreg s2  }
0xb0: {  	[dreg:$0x4] =	wrdreg $0x9  }
0xb1: {  	_ =	task.clear_ibuf [dreg:s7], $0x5FFFF;
	_ =	strace $0x90000046  }
0xb2: {  	s29 =	simm.s32 $0x9;
	_ =	strace $0x80000048  }
0xb3: {  	_ =	swait.ge [sflag:s29], $0x1  }
0xb4: {  	[sflag:s29] =	ssyncadd.s32 $0xFFFFFFFF  }
0xb5: {  	_ =	strace $0x90000048  }
0xb6: {  	_ =	sfence  }
0xb7: {  	s30 =	sld [smem:$0x0];
	_ =	sdelay $0x2  }
0xb8: {  	s31 =	sshll.u32 s1, $0xD;
	s1 =	sshrl.u32 s1, $0x2  }
0xb9: {  	s3 =	sand.u32 $0x4000, s31;
	s1 =	sadd.s32 s1, s30  }
0xba: {  	s0 =	sor.u32 s3, s0;
	s1 =	sshll.u32 s1, $0x11  }
0xbb: {  	s0 =	sor.u32 s1, s0  }
0xbc: {  	s0 =	sadd.s32 $0x8F2B, s0  }
0xbd: {  	[sflag:s0] =	ssyncadd.remote.s32 $0x1  }
0xbe: {  	_ =	sfence.sel $0xFFFF  }
0xbf: {  	[dreg:$0x0] =	wrdreg $0xFFFFFFFF;
	(pc) =	sbr.abs _section_cstart, $3  }
0xc0: {  	[dreg:$0x1] =	wrdreg $0xFFFFFFFF  }
0xc1: {  	_ =	task.clear_ibuf [dreg:s7], $0x2FFFF;
	_ =	strace $0x9FFFFFFF  }
0xc2: {  	(tm) =	ssettm $0x7FFFFFFF  }
0xc3: {  	_ =	shalt  }
tec
execute0_lowered:
.L_overlay_start_1:
0x0: {  	(tag) =	ssettag $0x1  }
0x1: {  	s1 =	srdreg.scid  }
0x2: {  	s0 =	stileid.u32;
	s4 =	rddreg [dreg:$0x0]  }
0x3: {  	s5 =	rddreg [dreg:$0x1];
	s9 =	simm.s32 $0x6400;
	s10 =	simm.s32 $0x48  }
0x4: {  	s11 =	simm.s32 $0x8400;
	s12 =	simm.s32 $0x9600;
	s13 =	simm.s32 $0xB600  }
0x5: {  	s14 =	simm.s32 $0xC800;
	s15 =	simm.s32 $0xE800;
	s16 =	simm.s32 $0xFA00  }
0x6: {  	s17 =	simm.s32 $0x11A00;
	s18 =	simm.s32 $0x1;
	s19 =	simm.s32 $0x2  }
0x7: {  	s20 =	simm.s32 $0x3;
	s21 =	simm.s32 $0x4;
	s22 =	simm.s32 $0x12C00  }
0x8: {  	s23 =	simm.s32 $0x0;
	s3 =	sand.u32 $0x1, s1;
	s30 =	sshll.u32 s0, $0x8  }
0x9: {  	s1 =	rddreg [dreg:$0x2];
	s2 =	sshll.u32 s3, $0x7;
	s8 =	ssub.s32 $0x2, s3  }
0xa: {  	s3 =	sadd.s32 $0xF80600, s4;
	s6 =	sor.u32 s2, s30;
	s2 =	simm.s32 $0x0  }
0xb: {  	s31 =	sshrl.u32 s8, $0x1;
	s7 =	smul.u32 $0x19, s6;
	[smem:$0x7FF] =	sst s2  }
0xc: {  	s6 =	sshll.u32 s6, $0x3;
	s8 =	ssub.s32 s8, s31;
	_ =	strace $0x80000047  }
0xd: {  	s5 =	sadd.s32 s5, s6;
	s6 =	smax.u32 s8, $0x1;
	s7 =	sadd.s32 s7, s4  }
0xe: {  	s8 =	simm.s32 $0x80;
	s4 =	sadd.s32 $0x600, s7;
	s7 =	simm.s32 $0x5  }
.LBB2_1:
0xf: {  	[tilespmem:s2], [sflag:$0x5] =	stream.linear.gather [hbm4b:s4+s2], $0x6400, $0x38;
	[tilespmem:$0x14C00] =	vst v63  }
0x10: {  	_ =	swait.ge [sflag:s7], $0x6400  }
0x11: {  	[sflag:s7] =	ssyncset.done $0x0  }
0x12: {  	s24 =	simm.s32 $0x0;
	[sflag:s7] =	ssyncadd.s32 $0xFFFF9C00  }
.LBB2_2:
0x13: {  	s25 =	smul.u32 $0xC80, s24  }
0x14: {  	s26 =	sshll.u32 s24, $0x2  }
0x15: {  	s28 =	sor.u32 $0x1, s26;
	s25 =	sshra.s32 s25, $0x2  }
0x16: {  	[tilespmem:s9], [sflag:$0x1] =	stream.indirect.gather [hbm4b:s3+s8], $0x40, s25, s8, $0xb8;
	[tilespmem:$0x14C00] =	vst v63  }
0x17: {  	s29 =	smul.u32 $0x320, s28;
	s25 =	sadd.s32 $0x80, s25  }
0x18: {  	[tilespmem:s11], [sflag:$0x1] =	stream.indirect.gather [hbm4b:s3+s10], $0x40, s25, s10, $0xb8;
	[tilespmem:$0x14C00] =	vst v63  }
0x19: {  	s26 =	sor.u32 $0x2, s26;
	s31 =	sshra.s32 s29, $0x2  }
0x1a: {  	[tilespmem:s12], [sflag:$0x2] =	stream.indirect.gather [hbm4b:s3+s8], $0x40, s31, s8, $0xb8;
	[tilespmem:$0x14C00] =	vst v63  }
0x1b: {  	s29 =	smul.u32 $0x320, s26;
	s25 =	sadd.s32 $0x80, s31  }
0x1c: {  	[tilespmem:s13], [sflag:$0x2] =	stream.indirect.gather [hbm4b:s3+s10], $0x40, s25, s10, $0xb8;
	[tilespmem:$0x14C00] =	vst v63  }
0x1d: {  	s29 =	sshra.s32 s29, $0x2;
	s25 =	sshllo.u32 s24, $0x2  }
0x1e: {  	[tilespmem:s14], [sflag:$0x3] =	stream.indirect.gather [hbm4b:s3+s8], $0x40, s29, s8, $0xb8;
	[tilespmem:$0x14C00] =	vst v63  }
0x1f: {  	s30 =	smul.u32 $0x320, s25;
	s29 =	sadd.s32 $0x80, s29  }
0x20: {  	[tilespmem:s15], [sflag:$0x3] =	stream.indirect.gather [hbm4b:s3+s10], $0x40, s29, s10, $0xb8;
	[tilespmem:$0x14C00] =	vst v63  }
0x21: {  	s29 =	sshra.s32 s30, $0x2  }
0x22: {  	[tilespmem:s16], [sflag:$0x4] =	stream.indirect.gather [hbm4b:s3+s8], $0x40, s29, s8, $0xb8;
	[tilespmem:$0x14C00] =	vst v63  }
0x23: {  	s29 =	sadd.s32 $0x80, s29  }
0x24: {  	[tilespmem:s17], [sflag:$0x4] =	stream.indirect.gather [hbm4b:s3+s10], $0x40, s29, s10, $0xb8;
	[tilespmem:$0x14C00] =	vst v63  }
0x25: {  	_ =	swait.ge [sflag:s18], $0x2000  }
0x26: {  	[sflag:s18] =	ssyncset.done $0x0  }
0x27: {  	[sflag:s18] =	ssyncadd.s32 $0xFFFFE000  }
0x28: {  	_ =	swait.ge [sflag:s18], $0x1200  }
0x29: {  	[sflag:s18] =	ssyncset.done $0x0  }
0x2a: {  	s30 =	simm.s32 $0x6480;
	[sflag:s18] =	ssyncadd.s32 $0xFFFFEE00  }
0x2b: {  	v0 =	vld [tilespmem:s30+$0x40]  }
0x2c: {  	v1 =	vld [tilespmem:s30+$0x50]  }
0x2d: {  	v2 =	vld [tilespmem:s30+$0x0]  }
0x2e: {  	v3 =	vld [tilespmem:s30+$0x10]  }
0x2f: {  	v9 =	vld [tilespmem:s30+$0xFFFFFFC0]  }
0x30: {  	v12 =	vld [tilespmem:s30+$0xFFFFFFD0]  }
0x31: {  	v5 =	vld [tilespmem:s30+$0xFFFFFF80]  }
0x32: {  	v7 =	vld [tilespmem:s30+$0xFFFFFF90]  }
0x33: {  	v10 =	vld [tilespmem:s30+$0xFFFFFFA0]  }
0x34: {  	v13 =	vld [tilespmem:s30+$0xFFFFFFB0]  }
0x35: {  	v6 =	vld [tilespmem:s30+$0xFFFFFFE0]  }
0x36: {  	v8 =	vld [tilespmem:s30+$0xFFFFFFF0]  }
0x37: {  	v14 =	vimm.f32 $0.0e+00;
	v4 =	vld [tilespmem:s30+$0x20]  }
0x38: {  	v15 =	vadd.f32 v5, v14;
	v16 =	vadd.f32 v7, v14;
	v7 =	vld [tilespmem:s30+$0x30]  }
0x39: {  	v11 =	vadd.f32 v10, v14;
	v10 =	vadd.f32 v13, v14;
	v5 =	vld [tilespmem:s30+$0x60]  }
0x3a: {  	s29 =	simm.s32 $0x0;
	v13 =	vadd.f32 v9, v15;
	v12 =	vadd.f32 v12, v16;
	v9 =	vld [tilespmem:s30+$0x70];
	s30 =	simm.s32 $0x6580  }
.LBB2_3:
0x3b: {  	v14 =	vld [tilespmem:s30+$0x40];
	v6 =	vadd.f32 v6, v11;
	v8 =	vadd.f32 v8, v10  }
0x3c: {  	v10 =	vld [tilespmem:s30+$0x50];
	v11 =	vadd.f32 v2, v13;
	v12 =	vadd.f32 v3, v12  }
0x3d: {  	v2 =	vld [tilespmem:s30+$0x0];
	v4 =	vadd.f32 v4, v6;
	v6 =	vadd.f32 v7, v8  }
0x3e: {  	v3 =	vld [tilespmem:s30+$0x10];
	v7 =	vadd.f32 v0, v11;
	v11 =	vadd.f32 v1, v12  }
0x3f: {  	v12 =	vld [tilespmem:s30+$0xFFFFFFC0];
	v5 =	vadd.f32 v5, v4;
	v9 =	vadd.f32 v9, v6  }
0x40: {  	v15 =	vld [tilespmem:s30+$0xFFFFFFD0];
	v0 =	vmov v14  }
0x41: {  	v13 =	vld [tilespmem:s30+$0xFFFFFF80];
	v1 =	vmov v10  }
0x42: {  	v10 =	vld [tilespmem:s30+$0xFFFFFF90]  }
0x43: {  	v14 =	vld [tilespmem:s30+$0xFFFFFFA0]  }
0x44: {  	s29 =	sadd.s32 $0x4, s29;
	v16 =	vld [tilespmem:s30+$0xFFFFFFB0]  }
0x45: {  	p0 =	slt.u32 s29, $0xC4;
	v6 =	vld [tilespmem:s30+$0xFFFFFFE0]  }
.Ltmp0:
0x46: {  	v8 =	vld [tilespmem:s30+$0xFFFFFFF0];
	(pc) =	sbr.rel @p0 .LBB2_3-.Ltmp0, $4  }
0x47: {  	v4 =	vld [tilespmem:s30+$0x20]  }
0x48: {  	v13 =	vadd.f32 v13, v7;
	v17 =	vadd.f32 v10, v11;
	v7 =	vld [tilespmem:s30+$0x30]  }
0x49: {  	v11 =	vadd.f32 v14, v5;
	v10 =	vadd.f32 v16, v9;
	v5 =	vld [tilespmem:s30+$0x60]  }
0x4a: {  	v13 =	vadd.f32 v12, v13;
	v12 =	vadd.f32 v15, v17;
	v9 =	vld [tilespmem:s30+$0x70];
	s30 =	sadd.s32 $0x100, s30  }
0x4b: {  	_ = 	snop  }
0x4c: {  	v6 =	vadd.f32 v6, v11;
	v2 =	vadd.f32 v2, v13  }
0x4d: {  	v8 =	vadd.f32 v8, v10;
	v3 =	vadd.f32 v3, v12  }
0x4e: {  	v4 =	vadd.f32 v4, v6;
	v0 =	vadd.f32 v0, v2  }
0x4f: {  	v2 =	vadd.f32 v7, v8;
	v1 =	vadd.f32 v1, v3  }
0x50: {  	s29 =	sshll.u32 s24, $0x8;
	v3 =	vadd.f32 v5, v4;
	v0 =	vmul.f32 $4.999999890e-03, v0  }
0x51: {  	s29 =	sand.u32 $0x3FFFFF00, s29;
	v2 =	vadd.f32 v9, v2;
	v1 =	vmul.f32 $4.999999890e-03, v1  }
0x52: {  	[tilespmem:s29+$0x12C00] =	vst v0;
	v0 =	vmul.f32 $4.999999890e-03, v3  }
0x53: {  	[tilespmem:s29+$0x12C10] =	vst v1;
	v1 =	vmul.f32 $4.999999890e-03, v2  }
0x54: {  	[tilespmem:s29+$0x12C20] =	vst v0  }
0x55: {  	[tilespmem:s29+$0x12C30] =	vst v1  }
0x56: {  	_ =	swait.ge [sflag:s19], $0x2000  }
0x57: {  	[sflag:s19] =	ssyncset.done $0x0  }
0x58: {  	[sflag:s19] =	ssyncadd.s32 $0xFFFFE000  }
0x59: {  	_ =	swait.ge [sflag:s19], $0x1200  }
0x5a: {  	[sflag:s19] =	ssyncset.done $0x0  }
0x5b: {  	s30 =	simm.s32 $0x9680;
	[sflag:s19] =	ssyncadd.s32 $0xFFFFEE00  }
0x5c: {  	v0 =	vld [tilespmem:s30+$0x40]  }
0x5d: {  	v1 =	vld [tilespmem:s30+$0x50]  }
0x5e: {  	v2 =	vld [tilespmem:s30+$0x0]  }
0x5f: {  	v3 =	vld [tilespmem:s30+$0x10]  }
0x60: {  	v9 =	vld [tilespmem:s30+$0xFFFFFFC0]  }
0x61: {  	v12 =	vld [tilespmem:s30+$0xFFFFFFD0]  }
0x62: {  	v5 =	vld [tilespmem:s30+$0xFFFFFF80]  }
0x63: {  	v7 =	vld [tilespmem:s30+$0xFFFFFF90]  }
0x64: {  	v10 =	vld [tilespmem:s30+$0xFFFFFFA0]  }
0x65: {  	v13 =	vld [tilespmem:s30+$0xFFFFFFB0]  }
0x66: {  	v6 =	vld [tilespmem:s30+$0xFFFFFFE0]  }
0x67: {  	v8 =	vld [tilespmem:s30+$0xFFFFFFF0]  }
0x68: {  	v14 =	vimm.f32 $0.0e+00;
	v4 =	vld [tilespmem:s30+$0x20]  }
0x69: {  	v15 =	vadd.f32 v5, v14;
	v16 =	vadd.f32 v7, v14;
	v7 =	vld [tilespmem:s30+$0x30]  }
0x6a: {  	v11 =	vadd.f32 v10, v14;
	v10 =	vadd.f32 v13, v14;
	v5 =	vld [tilespmem:s30+$0x60]  }
0x6b: {  	s29 =	simm.s32 $0x0;
	v13 =	vadd.f32 v9, v15;
	v12 =	vadd.f32 v12, v16;
	v9 =	vld [tilespmem:s30+$0x70];
	s30 =	simm.s32 $0x9780  }
.LBB2_5:
0x6c: {  	v14 =	vld [tilespmem:s30+$0x40];
	v6 =	vadd.f32 v6, v11;
	v8 =	vadd.f32 v8, v10  }
0x6d: {  	v10 =	vld [tilespmem:s30+$0x50];
	v11 =	vadd.f32 v2, v13;
	v12 =	vadd.f32 v3, v12  }
0x6e: {  	v2 =	vld [tilespmem:s30+$0x0];
	v4 =	vadd.f32 v4, v6;
	v6 =	vadd.f32 v7, v8  }
0x6f: {  	v3 =	vld [tilespmem:s30+$0x10];
	v7 =	vadd.f32 v0, v11;
	v11 =	vadd.f32 v1, v12  }
0x70: {  	v12 =	vld [tilespmem:s30+$0xFFFFFFC0];
	v5 =	vadd.f32 v5, v4;
	v9 =	vadd.f32 v9, v6  }
0x71: {  	v15 =	vld [tilespmem:s30+$0xFFFFFFD0];
	v0 =	vmov v14  }
0x72: {  	v13 =	vld [tilespmem:s30+$0xFFFFFF80];
	v1 =	vmov v10  }
0x73: {  	v10 =	vld [tilespmem:s30+$0xFFFFFF90]  }
0x74: {  	v14 =	vld [tilespmem:s30+$0xFFFFFFA0]  }
0x75: {  	s29 =	sadd.s32 $0x4, s29;
	v16 =	vld [tilespmem:s30+$0xFFFFFFB0]  }
0x76: {  	p0 =	slt.u32 s29, $0xC4;
	v6 =	vld [tilespmem:s30+$0xFFFFFFE0]  }
.Ltmp1:
0x77: {  	v8 =	vld [tilespmem:s30+$0xFFFFFFF0];
	(pc) =	sbr.rel @p0 .LBB2_5-.Ltmp1, $4  }
0x78: {  	v4 =	vld [tilespmem:s30+$0x20]  }
0x79: {  	v13 =	vadd.f32 v13, v7;
	v17 =	vadd.f32 v10, v11;
	v7 =	vld [tilespmem:s30+$0x30]  }
0x7a: {  	v11 =	vadd.f32 v14, v5;
	v10 =	vadd.f32 v16, v9;
	v5 =	vld [tilespmem:s30+$0x60]  }
0x7b: {  	v13 =	vadd.f32 v12, v13;
	v12 =	vadd.f32 v15, v17;
	v9 =	vld [tilespmem:s30+$0x70];
	s30 =	sadd.s32 $0x100, s30  }
0x7c: {  	_ = 	snop  }
0x7d: {  	v6 =	vadd.f32 v6, v11;
	v2 =	vadd.f32 v2, v13  }
0x7e: {  	v8 =	vadd.f32 v8, v10;
	v3 =	vadd.f32 v3, v12  }
0x7f: {  	v4 =	vadd.f32 v4, v6;
	v0 =	vadd.f32 v0, v2  }
0x80: {  	v2 =	vadd.f32 v7, v8;
	v1 =	vadd.f32 v1, v3  }
0x81: {  	s28 =	sshll.u32 s28, $0x6;
	v3 =	vadd.f32 v5, v4;
	v0 =	vmul.f32 $4.999999890e-03, v0  }
0x82: {  	s28 =	sand.u32 $0x3FFFFFC0, s28;
	v2 =	vadd.f32 v9, v2;
	v1 =	vmul.f32 $4.999999890e-03, v1  }
0x83: {  	[tilespmem:s28+$0x12C00] =	vst v0;
	v0 =	vmul.f32 $4.999999890e-03, v3  }
0x84: {  	[tilespmem:s28+$0x12C10] =	vst v1;
	v1 =	vmul.f32 $4.999999890e-03, v2  }
0x85: {  	[tilespmem:s28+$0x12C20] =	vst v0  }
0x86: {  	[tilespmem:s28+$0x12C30] =	vst v1  }
0x87: {  	_ =	swait.ge [sflag:s20], $0x2000  }
0x88: {  	[sflag:s20] =	ssyncset.done $0x0  }
0x89: {  	[sflag:s20] =	ssyncadd.s32 $0xFFFFE000  }
0x8a: {  	_ =	swait.ge [sflag:s20], $0x1200  }
0x8b: {  	[sflag:s20] =	ssyncset.done $0x0  }
0x8c: {  	s29 =	simm.s32 $0xC880;
	[sflag:s20] =	ssyncadd.s32 $0xFFFFEE00  }
0x8d: {  	v0 =	vld [tilespmem:s29+$0x40]  }
0x8e: {  	v1 =	vld [tilespmem:s29+$0x50]  }
0x8f: {  	v2 =	vld [tilespmem:s29+$0x0]  }
0x90: {  	v3 =	vld [tilespmem:s29+$0x10]  }
0x91: {  	v9 =	vld [tilespmem:s29+$0xFFFFFFC0]  }
0x92: {  	v12 =	vld [tilespmem:s29+$0xFFFFFFD0]  }
0x93: {  	v5 =	vld [tilespmem:s29+$0xFFFFFF80]  }
0x94: {  	v7 =	vld [tilespmem:s29+$0xFFFFFF90]  }
0x95: {  	v10 =	vld [tilespmem:s29+$0xFFFFFFA0]  }
0x96: {  	v13 =	vld [tilespmem:s29+$0xFFFFFFB0]  }
0x97: {  	v6 =	vld [tilespmem:s29+$0xFFFFFFE0]  }
0x98: {  	v8 =	vld [tilespmem:s29+$0xFFFFFFF0]  }
0x99: {  	v14 =	vimm.f32 $0.0e+00;
	v4 =	vld [tilespmem:s29+$0x20]  }
0x9a: {  	v15 =	vadd.f32 v5, v14;
	v16 =	vadd.f32 v7, v14;
	v7 =	vld [tilespmem:s29+$0x30]  }
0x9b: {  	v11 =	vadd.f32 v10, v14;
	v10 =	vadd.f32 v13, v14;
	v5 =	vld [tilespmem:s29+$0x60]  }
0x9c: {  	s28 =	simm.s32 $0x0;
	v13 =	vadd.f32 v9, v15;
	v12 =	vadd.f32 v12, v16;
	v9 =	vld [tilespmem:s29+$0x70];
	s29 =	simm.s32 $0xC980  }
.LBB2_7:
0x9d: {  	v14 =	vld [tilespmem:s29+$0x40];
	v6 =	vadd.f32 v6, v11;
	v8 =	vadd.f32 v8, v10  }
0x9e: {  	v10 =	vld [tilespmem:s29+$0x50];
	v11 =	vadd.f32 v2, v13;
	v12 =	vadd.f32 v3, v12  }
0x9f: {  	v2 =	vld [tilespmem:s29+$0x0];
	v4 =	vadd.f32 v4, v6;
	v6 =	vadd.f32 v7, v8  }
0xa0: {  	v3 =	vld [tilespmem:s29+$0x10];
	v7 =	vadd.f32 v0, v11;
	v11 =	vadd.f32 v1, v12  }
0xa1: {  	v12 =	vld [tilespmem:s29+$0xFFFFFFC0];
	v5 =	vadd.f32 v5, v4;
	v9 =	vadd.f32 v9, v6  }
0xa2: {  	v15 =	vld [tilespmem:s29+$0xFFFFFFD0];
	v0 =	vmov v14  }
0xa3: {  	v13 =	vld [tilespmem:s29+$0xFFFFFF80];
	v1 =	vmov v10  }
0xa4: {  	v10 =	vld [tilespmem:s29+$0xFFFFFF90]  }
0xa5: {  	v14 =	vld [tilespmem:s29+$0xFFFFFFA0]  }
0xa6: {  	s28 =	sadd.s32 $0x4, s28;
	v16 =	vld [tilespmem:s29+$0xFFFFFFB0]  }
0xa7: {  	p0 =	slt.u32 s28, $0xC4;
	v6 =	vld [tilespmem:s29+$0xFFFFFFE0]  }
.Ltmp2:
0xa8: {  	v8 =	vld [tilespmem:s29+$0xFFFFFFF0];
	(pc) =	sbr.rel @p0 .LBB2_7-.Ltmp2, $4  }
0xa9: {  	v4 =	vld [tilespmem:s29+$0x20]  }
0xaa: {  	v13 =	vadd.f32 v13, v7;
	v17 =	vadd.f32 v10, v11;
	v7 =	vld [tilespmem:s29+$0x30]  }
0xab: {  	v11 =	vadd.f32 v14, v5;
	v10 =	vadd.f32 v16, v9;
	v5 =	vld [tilespmem:s29+$0x60]  }
0xac: {  	v13 =	vadd.f32 v12, v13;
	v12 =	vadd.f32 v15, v17;
	v9 =	vld [tilespmem:s29+$0x70];
	s29 =	sadd.s32 $0x100, s29  }
0xad: {  	_ = 	snop  }
0xae: {  	v6 =	vadd.f32 v6, v11;
	v2 =	vadd.f32 v2, v13  }
0xaf: {  	v8 =	vadd.f32 v8, v10;
	v3 =	vadd.f32 v3, v12  }
0xb0: {  	v4 =	vadd.f32 v4, v6;
	v0 =	vadd.f32 v0, v2  }
0xb1: {  	v2 =	vadd.f32 v7, v8;
	v1 =	vadd.f32 v1, v3  }
0xb2: {  	s26 =	sshll.u32 s26, $0x6;
	v3 =	vadd.f32 v5, v4;
	v0 =	vmul.f32 $4.999999890e-03, v0  }
0xb3: {  	s26 =	sand.u32 $0x3FFFFFC0, s26;
	v2 =	vadd.f32 v9, v2;
	v1 =	vmul.f32 $4.999999890e-03, v1  }
0xb4: {  	[tilespmem:s26+$0x12C00] =	vst v0;
	v0 =	vmul.f32 $4.999999890e-03, v3  }
0xb5: {  	[tilespmem:s26+$0x12C10] =	vst v1;
	v1 =	vmul.f32 $4.999999890e-03, v2  }
0xb6: {  	[tilespmem:s26+$0x12C20] =	vst v0  }
0xb7: {  	[tilespmem:s26+$0x12C30] =	vst v1  }
0xb8: {  	_ =	swait.ge [sflag:s21], $0x2000  }
0xb9: {  	[sflag:s21] =	ssyncset.done $0x0  }
0xba: {  	[sflag:s21] =	ssyncadd.s32 $0xFFFFE000  }
0xbb: {  	_ =	swait.ge [sflag:s21], $0x1200  }
0xbc: {  	[sflag:s21] =	ssyncset.done $0x0  }
0xbd: {  	s28 =	simm.s32 $0xFA80;
	[sflag:s21] =	ssyncadd.s32 $0xFFFFEE00  }
0xbe: {  	v0 =	vld [tilespmem:s28+$0x40]  }
0xbf: {  	v1 =	vld [tilespmem:s28+$0x50]  }
0xc0: {  	v2 =	vld [tilespmem:s28+$0x0]  }
0xc1: {  	v3 =	vld [tilespmem:s28+$0x10]  }
0xc2: {  	v9 =	vld [tilespmem:s28+$0xFFFFFFC0]  }
0xc3: {  	v12 =	vld [tilespmem:s28+$0xFFFFFFD0]  }
0xc4: {  	v5 =	vld [tilespmem:s28+$0xFFFFFF80]  }
0xc5: {  	v7 =	vld [tilespmem:s28+$0xFFFFFF90]  }
0xc6: {  	v10 =	vld [tilespmem:s28+$0xFFFFFFA0]  }
0xc7: {  	v13 =	vld [tilespmem:s28+$0xFFFFFFB0]  }
0xc8: {  	v6 =	vld [tilespmem:s28+$0xFFFFFFE0]  }
0xc9: {  	v8 =	vld [tilespmem:s28+$0xFFFFFFF0]  }
0xca: {  	v14 =	vimm.f32 $0.0e+00;
	v4 =	vld [tilespmem:s28+$0x20]  }
0xcb: {  	v15 =	vadd.f32 v5, v14;
	v16 =	vadd.f32 v7, v14;
	v7 =	vld [tilespmem:s28+$0x30]  }
0xcc: {  	v11 =	vadd.f32 v10, v14;
	v10 =	vadd.f32 v13, v14;
	v5 =	vld [tilespmem:s28+$0x60]  }
0xcd: {  	s26 =	simm.s32 $0x0;
	v13 =	vadd.f32 v9, v15;
	v12 =	vadd.f32 v12, v16;
	v9 =	vld [tilespmem:s28+$0x70];
	s28 =	simm.s32 $0xFB80  }
.LBB2_9:
0xce: {  	v14 =	vld [tilespmem:s28+$0x40];
	v6 =	vadd.f32 v6, v11;
	v8 =	vadd.f32 v8, v10  }
0xcf: {  	v10 =	vld [tilespmem:s28+$0x50];
	v11 =	vadd.f32 v2, v13;
	v12 =	vadd.f32 v3, v12  }
0xd0: {  	v2 =	vld [tilespmem:s28+$0x0];
	v4 =	vadd.f32 v4, v6;
	v6 =	vadd.f32 v7, v8  }
0xd1: {  	v3 =	vld [tilespmem:s28+$0x10];
	v7 =	vadd.f32 v0, v11;
	v11 =	vadd.f32 v1, v12  }
0xd2: {  	v12 =	vld [tilespmem:s28+$0xFFFFFFC0];
	v5 =	vadd.f32 v5, v4;
	v9 =	vadd.f32 v9, v6  }
0xd3: {  	v15 =	vld [tilespmem:s28+$0xFFFFFFD0];
	v0 =	vmov v14  }
0xd4: {  	v13 =	vld [tilespmem:s28+$0xFFFFFF80];
	v1 =	vmov v10  }
0xd5: {  	v10 =	vld [tilespmem:s28+$0xFFFFFF90]  }
0xd6: {  	v14 =	vld [tilespmem:s28+$0xFFFFFFA0]  }
0xd7: {  	s26 =	sadd.s32 $0x4, s26;
	v16 =	vld [tilespmem:s28+$0xFFFFFFB0]  }
0xd8: {  	p0 =	slt.u32 s26, $0xC4;
	v6 =	vld [tilespmem:s28+$0xFFFFFFE0]  }
.Ltmp3:
0xd9: {  	v8 =	vld [tilespmem:s28+$0xFFFFFFF0];
	(pc) =	sbr.rel @p0 .LBB2_9-.Ltmp3, $4  }
0xda: {  	v4 =	vld [tilespmem:s28+$0x20]  }
0xdb: {  	v13 =	vadd.f32 v13, v7;
	v17 =	vadd.f32 v10, v11;
	v7 =	vld [tilespmem:s28+$0x30]  }
0xdc: {  	v11 =	vadd.f32 v14, v5;
	v10 =	vadd.f32 v16, v9;
	v5 =	vld [tilespmem:s28+$0x60]  }
0xdd: {  	v13 =	vadd.f32 v12, v13;
	v12 =	vadd.f32 v15, v17;
	v9 =	vld [tilespmem:s28+$0x70];
	s28 =	sadd.s32 $0x100, s28  }
0xde: {  	_ = 	snop  }
0xdf: {  	v6 =	vadd.f32 v6, v11;
	v2 =	vadd.f32 v2, v13  }
0xe0: {  	v8 =	vadd.f32 v8, v10;
	v3 =	vadd.f32 v3, v12  }
0xe1: {  	v4 =	vadd.f32 v4, v6;
	v0 =	vadd.f32 v0, v2  }
0xe2: {  	s24 =	sadd.s32 $0x1, s24;
	v60 =	vadd.f32 v7, v8;
	v1 =	vadd.f32 v1, v3  }
0xe3: {  	s25 =	sshll.u32 s25, $0x6;
	p0 =	sne.s32 s24, $0x20;
	v61 =	vadd.f32 v5, v4;
	v0 =	vmul.f32 $4.999999890e-03, v0  }
.Ltmp4:
0xe4: {  	s25 =	sand.u32 $0x3FFFFFC0, s25;
	v2 =	vadd.f32 v9, v60;
	v1 =	vmul.f32 $4.999999890e-03, v1;
	(pc) =	sbr.rel @p0 .LBB2_2-.Ltmp4, $4  }
0xe5: {  	v62 =	vmul.f32 $4.999999890e-03, v61;
	[tilespmem:s25+$0x12C00] =	vst v0  }
0xe6: {  	v63 =	vmul.f32 $4.999999890e-03, v2;
	[tilespmem:s25+$0x12C10] =	vst v1  }
0xe7: {  	[tilespmem:s25+$0x12C20] =	vst v62  }
0xe8: {  	[tilespmem:s25+$0x12C30] =	vst v63  }
0xe9: {  	s23 =	sadd.s32 $0x1, s23  }
0xea: {  	p0 =	sne.s32 s23, s6  }
.Ltmp5:
0xeb: {  	_ = 	snop;
	(pc) =	sbr.rel @p0 .LBB2_1-.Ltmp5, $4  }
0xec: {  	[hbm4b:s5+s2] =	stream.linear.scatter [tilespmem:s22], [sflag:$0x5], $0x2000, $0x38;
	[tilespmem:$0x14C00] =	vst v63  }
0xed: {  	_ =	swait.ge [sflag:s7], $0x2000  }
0xee: {  	[sflag:s7] =	ssyncset.done $0x0  }
0xef: {  	[sflag:s7] =	ssyncadd.s32 $0xFFFFE000  }
0xf0: {  	_ =	sfence.sel $0x180000  }
0xf1: {  	[bflag:$0x0] =	sbarrier.arrive $0xFFFF  }
0xf2: {  	p0 =	sne.s32 s0, $0x0;
	_ =	strace $0x90000047  }
0xf3: {  	s0 =	sadd.s32 @!p0 $0x100000, s1;
	[bflag:$0x2] =	sbarrier.arrive $0xFFFF  }
0xf4: {  	[sflag:s0] =	ssyncadd.tile.s32 @!p0 $0x1;
	_ =	shalt  }
.Lfunc_end2:
_tile_overlayer_lowered:
.L_overlay_start_2:
0xf5: {  	(tag) =	ssettag $0x2  }
0xf6: {  	s0 =	rddreg [dreg:$0x0];
	s2 =	stileid.u32  }
0xf7: {  	s1 =	rddreg [dreg:$0x1];
	p0 =	sne.s32 s2, $0x0  }
0xf8: {  	s3 =	rddreg [dreg:$0x2];
	[bflag:$0x3] =	sbarrier.arrive $0xFFFF;
	s2 =	simm.s32 @!p0 $0x1C05  }
0xf9: {  	[timem:s3], [sflag:s2] =	dma.local @!p0 [hbm:s0], s1  }
0xfa: {  	s0 =	simm.s32 @!p0 $0x5  }
0xfb: {  	_ =	swait.ge @!p0 [sflag:s0], s1  }
0xfc: {  	s1 =	ssub.s32 @!p0 $0x0, s1;
	[sflag:s0] =	ssyncset.done @!p0 $0x0  }
0xfd: {  	[sflag:s0] =	ssyncadd.s32 @!p0 s1  }
0xfe: {  	[bflag:$0x3] =	sbarrier.arrive $0xFFFF  }
0xff: {  	_ =	shalt  }

</sc_bundles>
